<compile_context>
chip_gen: v7x
topology: tpu7x:2x2x1
jax: 0.10.2.dev20260603
libtpu: 0.0.44.dev20260713+nightly
codegen_flags: <defaults>
</compile_context>

<pallas_src>
import math

import jax
import jax.numpy as jnp
from jax import lax
from jax.experimental import pallas as pl
from jax.experimental.pallas import tpu as pltpu
from jax.experimental.pallas import tpu_sc as plsc

_SIZE = 100000
_PAD = 0
_SMOOTHING = 0.1
_CONF = 1.0 - _SMOOTHING
_EPS = _SMOOTHING / (_SIZE - 2)
_C = _CONF * math.log(_CONF) + (_SIZE - 2) * _EPS * math.log(_EPS)

_BR = 16
_L = 16
_NW = 32
_W = 128


def _tc_main_body(x_ref, t_ref, o_ref):
    x = x_ref[...]
    t = t_ref[0, 0, :]
    rowsum = jnp.sum(x, axis=1)
    cols = jax.lax.broadcasted_iota(jnp.int32, x.shape, 1)
    g = jnp.sum(jnp.where(cols == t[:, None], x, 0.0), axis=1)
    per_row = jnp.where(
        t != _PAD,
        -_EPS * rowsum - (_CONF - _EPS) * g,
        0.0,
    )
    partial = jnp.sum(per_row)

    @pl.when(pl.program_id(0) == 0)
    def _():
        o_ref[0, 0] = 0.0

    o_ref[0, 0] += partial


def _sc_part(xs1d, target, n):
    rows_pt = n // _NW
    mesh = plsc.VectorSubcoreMesh(core_axis_name="c", subcore_axis_name="s")

    @pl.kernel(
        mesh=mesh,
        out_type=jax.ShapeDtypeStruct((_NW, _L), jnp.float32),
        scratch_types=[
            pltpu.VMEM((rows_pt * _W,), jnp.float32),
            pltpu.VMEM((rows_pt,), jnp.int32),
            pltpu.VMEM((_L,), jnp.float32),
        ],
    )
    def sc_kernel(x_hbm, t_hbm, out_hbm, buf, tgt_v, tot_v):
        wid = lax.axis_index("s") * 2 + lax.axis_index("c")
        pltpu.sync_copy(t_hbm.at[pl.ds(wid * rows_pt, rows_pt)], tgt_v)
        pltpu.sync_copy(x_hbm.at[pl.ds(wid * rows_pt * _W, rows_pt * _W)],
                        buf)
        lanes = lax.iota(jnp.int32, _L)
        cnt = jnp.zeros((_L,), jnp.float32)
        x0acc = jnp.zeros((_L,), jnp.float32)
        for g in range(rows_pt // _L):
            t16 = tgt_v[pl.ds(g * _L, _L)]
            cnt = cnt + jnp.where(t16 != _PAD, 1.0, 0.0)
            for r in range(_L):
                m = t16[r] != _PAD
                v16 = buf[pl.ds((g * _L + r) * _W, _L)]
                sel0 = jnp.where(m, 0, -1)
                pick0 = lanes == jnp.full((_L,), sel0)
                x0acc = x0acc + jnp.where(pick0, v16, 0.0)
        tot_v[...] = _EPS * x0acc + _C * cnt
        pltpu.sync_copy(tot_v, out_hbm.at[wid])

    return sc_kernel(xs1d, target)


def kernel(x, target):
    n, v = x.shape
    t32 = target.astype(jnp.int32)
    t3 = t32.reshape(n // _BR, 1, _BR)

    xs1d = lax.slice(x, (0, 0), (n, _W)).reshape(-1)
    sc_out = _sc_part(xs1d, t32, n)

    dense = pl.pallas_call(
        _tc_main_body,
        grid=(n // _BR,),
        in_specs=[
            pl.BlockSpec((_BR, v), lambda i: (i, 0)),
            pl.BlockSpec((1, 1, _BR), lambda i: (i, 0, 0)),
        ],
        out_specs=pl.BlockSpec(memory_space=pltpu.SMEM),
        out_shape=jax.ShapeDtypeStruct((1, 1), jnp.float32),
    )(x, t3)

    return dense[0, 0] + jnp.sum(sc_out)

# --- scband reference (transcript-rebuilt; emitter-appended) ---
"""Pipeline reference for scband-label-smoothing-87007447482670 (READ-ONLY COPY).

The authoritative reference and input builder live on the scoring server;
editing this copy changes nothing except your own understanding.
"""

import jax, jax.numpy as jnp
import numpy as np

SIZE = 100000
PADDING_IDX = 0
SMOOTHING = 0.1
CONFIDENCE = 1.0 - SMOOTHING


def setup_inputs(seed: int = 0) -> dict:
    key = jax.random.key(seed)
    k1, k2 = jax.random.split(key)
    x = jax.random.normal(k1, (2048, SIZE), dtype=jnp.float32)
    # treat x as log-probabilities (as expected by KLDivLoss); normalize via log_softmax for realism
    x = jax.nn.log_softmax(x, axis=-1)
    target = jax.random.randint(k2, (2048,), 0, SIZE, dtype=jnp.int64 if jax.config.jax_enable_x64 else jnp.int32)
    return {"x": x, "target": target}


def reference(x, target):
    n = x.shape[0]
    # true_dist filled with smoothing / (size - 2)
    true_dist = jnp.full_like(x, SMOOTHING / (SIZE - 2))
    # scatter confidence at target positions (scatter-overwrite)
    true_dist = true_dist.at[jnp.arange(n), target].set(CONFIDENCE)
    # zero out padding_idx column
    true_dist = true_dist.at[:, PADDING_IDX].set(0.0)
    # zero out rows where target == padding_idx (index_fill_)
    pad_mask = (target == PADDING_IDX)
    true_dist = jnp.where(pad_mask[:, None], 0.0, true_dist)
    # KLDivLoss(reduction='sum'): sum(t * (log t - x)), with 0*log(0) := 0
    safe_t = jnp.where(true_dist > 0, true_dist, 1.0)
    loss = jnp.sum(true_dist * (jnp.log(safe_t) - x))
    return loss

if __name__ == "__main__":
    import jax
    _d = setup_inputs()
    print(jax.jit(kernel)(*tuple(_d.values())))

</pallas_src>

<mosaic_0001>
#map = affine_map<(d0, d1) -> (0)>
#map1 = affine_map<(d0, d1) -> (0, 0)>
module attributes {stable_mosaic.version = 14 : i64} {
  func.func @sc_kernel(%arg0: i32, %arg1: i32, %arg2: memref<262144xf32, #tpu.memory_space<hbm>>, %arg3: memref<2048xi32, #tpu.memory_space<hbm>>, %arg4: memref<32x16xf32, #tpu.memory_space<hbm>>, %arg5: memref<8192xf32, #tpu.memory_space<vmem>>, %arg6: memref<64xi32, #tpu.memory_space<vmem>>, %arg7: memref<16xf32, #tpu.memory_space<vmem>>) attributes {dimension_semantics = [#tpu.dimension_semantics<core_parallel>, #tpu.dimension_semantics<subcore_parallel>], iteration_bounds = array<i64: 2, 16>, scalar_prefetch = 0 : i64, scratch_operands = 3 : i64, tpu.core_type = #tpu.core_type<sc_vector_subcore>, window_params = [{transform_indices = #map}, {transform_indices = #map}, {transform_indices = #map1}]} {
    %mul3A = arith.constant 2 : i32
    %mul3A_0 = arith.muli %arg1, %mul3A : i32
    %add3A = arith.addi %mul3A_0, %arg0 : i32
    %mul3A_1 = arith.constant 64 : i32
    %mul3A_2 = arith.muli %add3A, %mul3A_1 : i32
    "tpu.region"() ({
      %run_scoped3A = tpu.sem_alloc : memref<!tpu.dma_semaphore, #tpu.memory_space<semaphore_mem>>
      %dma_start3A = tpu.memref_slice %arg3[%mul3A_2] : memref<2048xi32, #tpu.memory_space<hbm>> -> memref<64xi32, #tpu.memory_space<hbm>>
      %dma_start3A_1085 = tpu.memref_slice %arg3[%mul3A_2] : memref<2048xi32, #tpu.memory_space<hbm>> -> memref<64xi32, #tpu.memory_space<hbm>>
      tpu.enqueue_dma source(%dma_start3A_1085 : memref<64xi32, #tpu.memory_space<hbm>>) target(%arg6 : memref<64xi32, #tpu.memory_space<vmem>>) target_semaphore(%run_scoped3A : memref<!tpu.dma_semaphore, #tpu.memory_space<semaphore_mem>>)
      %dma_wait3A = tpu.memref_slice %arg3[%mul3A_2] : memref<2048xi32, #tpu.memory_space<hbm>> -> memref<64xi32, #tpu.memory_space<hbm>>
      %dma_wait3A_1086 = tpu.memref_slice %arg3[%mul3A_2] : memref<2048xi32, #tpu.memory_space<hbm>> -> memref<64xi32, #tpu.memory_space<hbm>>
      tpu.wait_dma2 semaphore(%run_scoped3A : memref<!tpu.dma_semaphore, #tpu.memory_space<semaphore_mem>>) src(%dma_wait3A_1086 : memref<64xi32, #tpu.memory_space<hbm>>) dst(%arg6 : memref<64xi32, #tpu.memory_space<vmem>>)
      tpu.yield
    }) : () -> ()
    %mul3A_3 = arith.constant 64 : i32
    %mul3A_4 = arith.muli %add3A, %mul3A_3 : i32
    %mul3A_5 = arith.constant 128 : i32
    %mul3A_6 = arith.muli %mul3A_4, %mul3A_5 : i32
    "tpu.region"() ({
      %run_scoped3A = tpu.sem_alloc : memref<!tpu.dma_semaphore, #tpu.memory_space<semaphore_mem>>
      %dma_start3A = tpu.memref_slice %arg2[%mul3A_6] : memref<262144xf32, #tpu.memory_space<hbm>> -> memref<8192xf32, #tpu.memory_space<hbm>>
      %dma_start3A_1085 = tpu.memref_slice %arg2[%mul3A_6] : memref<262144xf32, #tpu.memory_space<hbm>> -> memref<8192xf32, #tpu.memory_space<hbm>>
      tpu.enqueue_dma source(%dma_start3A_1085 : memref<8192xf32, #tpu.memory_space<hbm>>) target(%arg5 : memref<8192xf32, #tpu.memory_space<vmem>>) target_semaphore(%run_scoped3A : memref<!tpu.dma_semaphore, #tpu.memory_space<semaphore_mem>>)
      %dma_wait3A = tpu.memref_slice %arg2[%mul3A_6] : memref<262144xf32, #tpu.memory_space<hbm>> -> memref<8192xf32, #tpu.memory_space<hbm>>
      %dma_wait3A_1086 = tpu.memref_slice %arg2[%mul3A_6] : memref<262144xf32, #tpu.memory_space<hbm>> -> memref<8192xf32, #tpu.memory_space<hbm>>
      tpu.wait_dma2 semaphore(%run_scoped3A : memref<!tpu.dma_semaphore, #tpu.memory_space<semaphore_mem>>) src(%dma_wait3A_1086 : memref<8192xf32, #tpu.memory_space<hbm>>) dst(%arg5 : memref<8192xf32, #tpu.memory_space<vmem>>)
      tpu.yield
    }) : () -> ()
    %iota3A = tpu.iota {dimensions = array<i32: 0>} : vector<16xi32>
    %broadcast_in_dim3A = arith.constant 0.000000e+00 : f32
    %broadcast_in_dim3A_7 = vector.broadcast %broadcast_in_dim3A : f32 to vector<16xf32>
    %broadcast_in_dim3A_8 = arith.constant 0.000000e+00 : f32
    %broadcast_in_dim3A_9 = vector.broadcast %broadcast_in_dim3A_8 : f32 to vector<16xf32>
    %get3A = arith.constant 0 : index
    %get3A_10 = tpu.vector_load %arg6[%get3A] {strides = array<i32>} : memref<64xi32, #tpu.memory_space<vmem>>, vector<16xi32>,
    %get3A_11 = vector.shape_cast %get3A_10 : vector<16xi32> to vector<16xi32>
    %ne3A = arith.constant 0 : i32
    %ne3A_12 = vector.broadcast %ne3A : i32 to vector<16xi32>
    %ne3A_13 = arith.cmpi ne, %get3A_11, %ne3A_12 : vector<16xi32>
    %jit3A = arith.constant 1.000000e+00 : f32
    %jit3A_14 = arith.constant 0.000000e+00 : f32
    %broadcast_in_dim3A_15 = vector.broadcast %jit3A : f32 to vector<16xf32>
    %broadcast_in_dim3A_16 = vector.broadcast %jit3A_14 : f32 to vector<16xf32>
    %select_n3A = arith.select %ne3A_13, %broadcast_in_dim3A_15, %broadcast_in_dim3A_16 : vector<16xi1>, vector<16xf32>
    %add3A_17 = arith.addf %broadcast_in_dim3A_7, %select_n3A : vector<16xf32>
    %slice3A = vector.extract_strided_slice %get3A_11 {offsets = [0], sizes = [1], strides = [1]} : vector<16xi32> to vector<1xi32>
    %squeeze3A = vector.extract %slice3A[0] : i32 from vector<1xi32>
    %ne3A_18 = arith.constant 0 : i32
    %ne3A_19 = arith.cmpi ne, %squeeze3A, %ne3A_18 : i32
    %get3A_20 = arith.constant 0 : index
    %get3A_21 = tpu.vector_load %arg5[%get3A_20] {strides = array<i32>} : memref<8192xf32, #tpu.memory_space<vmem>>, vector<16xf32>,
    %get3A_22 = vector.shape_cast %get3A_21 : vector<16xf32> to vector<16xf32>
    %jit3A_23 = arith.constant 0 : i32
    %jit3A_24 = arith.constant -1 : i32
    %select_n3A_25 = arith.select %ne3A_19, %jit3A_23, %jit3A_24 : i32
    %broadcast_in_dim3A_26 = vector.broadcast %select_n3A_25 : i32 to vector<16xi32>
    %eq3A = arith.cmpi eq, %iota3A, %broadcast_in_dim3A_26 : vector<16xi32>
    %jit3A_27 = arith.constant 0.000000e+00 : f32
    %broadcast_in_dim3A_28 = vector.broadcast %jit3A_27 : f32 to vector<16xf32>
    %select_n3A_29 = arith.select %eq3A, %get3A_22, %broadcast_in_dim3A_28 : vector<16xi1>, vector<16xf32>
    %add3A_30 = arith.addf %broadcast_in_dim3A_9, %select_n3A_29 : vector<16xf32>
    %slice3A_31 = vector.extract_strided_slice %get3A_11 {offsets = [1], sizes = [1], strides = [1]} : vector<16xi32> to vector<1xi32>
    %squeeze3A_32 = vector.extract %slice3A_31[0] : i32 from vector<1xi32>
    %ne3A_33 = arith.constant 0 : i32
    %ne3A_34 = arith.cmpi ne, %squeeze3A_32, %ne3A_33 : i32
    %get3A_35 = arith.constant 128 : index
    %get3A_36 = tpu.vector_load %arg5[%get3A_35] {strides = array<i32>} : memref<8192xf32, #tpu.memory_space<vmem>>, vector<16xf32>,
    %get3A_37 = vector.shape_cast %get3A_36 : vector<16xf32> to vector<16xf32>
    %jit3A_38 = arith.constant 0 : i32
    %jit3A_39 = arith.constant -1 : i32
    %select_n3A_40 = arith.select %ne3A_34, %jit3A_38, %jit3A_39 : i32
    %broadcast_in_dim3A_41 = vector.broadcast %select_n3A_40 : i32 to vector<16xi32>
    %eq3A_42 = arith.cmpi eq, %iota3A, %broadcast_in_dim3A_41 : vector<16xi32>
    %jit3A_43 = arith.constant 0.000000e+00 : f32
    %broadcast_in_dim3A_44 = vector.broadcast %jit3A_43 : f32 to vector<16xf32>
    %select_n3A_45 = arith.select %eq3A_42, %get3A_37, %broadcast_in_dim3A_44 : vector<16xi1>, vector<16xf32>
    %add3A_46 = arith.addf %add3A_30, %select_n3A_45 : vector<16xf32>
    %slice3A_47 = vector.extract_strided_slice %get3A_11 {offsets = [2], sizes = [1], strides = [1]} : vector<16xi32> to vector<1xi32>
    %squeeze3A_48 = vector.extract %slice3A_47[0] : i32 from vector<1xi32>
    %ne3A_49 = arith.constant 0 : i32
    %ne3A_50 = arith.cmpi ne, %squeeze3A_48, %ne3A_49 : i32
    %get3A_51 = arith.constant 256 : index
    %get3A_52 = tpu.vector_load %arg5[%get3A_51] {strides = array<i32>} : memref<8192xf32, #tpu.memory_space<vmem>>, vector<16xf32>,
    %get3A_53 = vector.shape_cast %get3A_52 : vector<16xf32> to vector<16xf32>
    %jit3A_54 = arith.constant 0 : i32
    %jit3A_55 = arith.constant -1 : i32
    %select_n3A_56 = arith.select %ne3A_50, %jit3A_54, %jit3A_55 : i32
    %broadcast_in_dim3A_57 = vector.broadcast %select_n3A_56 : i32 to vector<16xi32>
    %eq3A_58 = arith.cmpi eq, %iota3A, %broadcast_in_dim3A_57 : vector<16xi32>
    %jit3A_59 = arith.constant 0.000000e+00 : f32
    %broadcast_in_dim3A_60 = vector.broadcast %jit3A_59 : f32 to vector<16xf32>
    %select_n3A_61 = arith.select %eq3A_58, %get3A_53, %broadcast_in_dim3A_60 : vector<16xi1>, vector<16xf32>
    %add3A_62 = arith.addf %add3A_46, %select_n3A_61 : vector<16xf32>
    %slice3A_63 = vector.extract_strided_slice %get3A_11 {offsets = [3], sizes = [1], strides = [1]} : vector<16xi32> to vector<1xi32>
    %squeeze3A_64 = vector.extract %slice3A_63[0] : i32 from vector<1xi32>
    %ne3A_65 = arith.constant 0 : i32
    %ne3A_66 = arith.cmpi ne, %squeeze3A_64, %ne3A_65 : i32
    %get3A_67 = arith.constant 384 : index
    %get3A_68 = tpu.vector_load %arg5[%get3A_67] {strides = array<i32>} : memref<8192xf32, #tpu.memory_space<vmem>>, vector<16xf32>,
    %get3A_69 = vector.shape_cast %get3A_68 : vector<16xf32> to vector<16xf32>
    %jit3A_70 = arith.constant 0 : i32
    %jit3A_71 = arith.constant -1 : i32
    %select_n3A_72 = arith.select %ne3A_66, %jit3A_70, %jit3A_71 : i32
    %broadcast_in_dim3A_73 = vector.broadcast %select_n3A_72 : i32 to vector<16xi32>
    %eq3A_74 = arith.cmpi eq, %iota3A, %broadcast_in_dim3A_73 : vector<16xi32>
    %jit3A_75 = arith.constant 0.000000e+00 : f32
    %broadcast_in_dim3A_76 = vector.broadcast %jit3A_75 : f32 to vector<16xf32>
    %select_n3A_77 = arith.select %eq3A_74, %get3A_69, %broadcast_in_dim3A_76 : vector<16xi1>, vector<16xf32>
    %add3A_78 = arith.addf %add3A_62, %select_n3A_77 : vector<16xf32>
    %slice3A_79 = vector.extract_strided_slice %get3A_11 {offsets = [4], sizes = [1], strides = [1]} : vector<16xi32> to vector<1xi32>
    %squeeze3A_80 = vector.extract %slice3A_79[0] : i32 from vector<1xi32>
    %ne3A_81 = arith.constant 0 : i32
    %ne3A_82 = arith.cmpi ne, %squeeze3A_80, %ne3A_81 : i32
    %get3A_83 = arith.constant 512 : index
    %get3A_84 = tpu.vector_load %arg5[%get3A_83] {strides = array<i32>} : memref<8192xf32, #tpu.memory_space<vmem>>, vector<16xf32>,
    %get3A_85 = vector.shape_cast %get3A_84 : vector<16xf32> to vector<16xf32>
    %jit3A_86 = arith.constant 0 : i32
    %jit3A_87 = arith.constant -1 : i32
    %select_n3A_88 = arith.select %ne3A_82, %jit3A_86, %jit3A_87 : i32
    %broadcast_in_dim3A_89 = vector.broadcast %select_n3A_88 : i32 to vector<16xi32>
    %eq3A_90 = arith.cmpi eq, %iota3A, %broadcast_in_dim3A_89 : vector<16xi32>
    %jit3A_91 = arith.constant 0.000000e+00 : f32
    %broadcast_in_dim3A_92 = vector.broadcast %jit3A_91 : f32 to vector<16xf32>
    %select_n3A_93 = arith.select %eq3A_90, %get3A_85, %broadcast_in_dim3A_92 : vector<16xi1>, vector<16xf32>
    %add3A_94 = arith.addf %add3A_78, %select_n3A_93 : vector<16xf32>
    %slice3A_95 = vector.extract_strided_slice %get3A_11 {offsets = [5], sizes = [1], strides = [1]} : vector<16xi32> to vector<1xi32>
    %squeeze3A_96 = vector.extract %slice3A_95[0] : i32 from vector<1xi32>
    %ne3A_97 = arith.constant 0 : i32
    %ne3A_98 = arith.cmpi ne, %squeeze3A_96, %ne3A_97 : i32
    %get3A_99 = arith.constant 640 : index
    %get3A_100 = tpu.vector_load %arg5[%get3A_99] {strides = array<i32>} : memref<8192xf32, #tpu.memory_space<vmem>>, vector<16xf32>,
    %get3A_101 = vector.shape_cast %get3A_100 : vector<16xf32> to vector<16xf32>
    %jit3A_102 = arith.constant 0 : i32
    %jit3A_103 = arith.constant -1 : i32
    %select_n3A_104 = arith.select %ne3A_98, %jit3A_102, %jit3A_103 : i32
    %broadcast_in_dim3A_105 = vector.broadcast %select_n3A_104 : i32 to vector<16xi32>
    %eq3A_106 = arith.cmpi eq, %iota3A, %broadcast_in_dim3A_105 : vector<16xi32>
    %jit3A_107 = arith.constant 0.000000e+00 : f32
    %broadcast_in_dim3A_108 = vector.broadcast %jit3A_107 : f32 to vector<16xf32>
    %select_n3A_109 = arith.select %eq3A_106, %get3A_101, %broadcast_in_dim3A_108 : vector<16xi1>, vector<16xf32>
    %add3A_110 = arith.addf %add3A_94, %select_n3A_109 : vector<16xf32>
    %slice3A_111 = vector.extract_strided_slice %get3A_11 {offsets = [6], sizes = [1], strides = [1]} : vector<16xi32> to vector<1xi32>
    %squeeze3A_112 = vector.extract %slice3A_111[0] : i32 from vector<1xi32>
    %ne3A_113 = arith.constant 0 : i32
    %ne3A_114 = arith.cmpi ne, %squeeze3A_112, %ne3A_113 : i32
    %get3A_115 = arith.constant 768 : index
    %get3A_116 = tpu.vector_load %arg5[%get3A_115] {strides = array<i32>} : memref<8192xf32, #tpu.memory_space<vmem>>, vector<16xf32>,
    %get3A_117 = vector.shape_cast %get3A_116 : vector<16xf32> to vector<16xf32>
    %jit3A_118 = arith.constant 0 : i32
    %jit3A_119 = arith.constant -1 : i32
    %select_n3A_120 = arith.select %ne3A_114, %jit3A_118, %jit3A_119 : i32
    %broadcast_in_dim3A_121 = vector.broadcast %select_n3A_120 : i32 to vector<16xi32>
    %eq3A_122 = arith.cmpi eq, %iota3A, %broadcast_in_dim3A_121 : vector<16xi32>
    %jit3A_123 = arith.constant 0.000000e+00 : f32
    %broadcast_in_dim3A_124 = vector.broadcast %jit3A_123 : f32 to vector<16xf32>
    %select_n3A_125 = arith.select %eq3A_122, %get3A_117, %broadcast_in_dim3A_124 : vector<16xi1>, vector<16xf32>
    %add3A_126 = arith.addf %add3A_110, %select_n3A_125 : vector<16xf32>
    %slice3A_127 = vector.extract_strided_slice %get3A_11 {offsets = [7], sizes = [1], strides = [1]} : vector<16xi32> to vector<1xi32>
    %squeeze3A_128 = vector.extract %slice3A_127[0] : i32 from vector<1xi32>
    %ne3A_129 = arith.constant 0 : i32
    %ne3A_130 = arith.cmpi ne, %squeeze3A_128, %ne3A_129 : i32
    %get3A_131 = arith.constant 896 : index
    %get3A_132 = tpu.vector_load %arg5[%get3A_131] {strides = array<i32>} : memref<8192xf32, #tpu.memory_space<vmem>>, vector<16xf32>,
    %get3A_133 = vector.shape_cast %get3A_132 : vector<16xf32> to vector<16xf32>
    %jit3A_134 = arith.constant 0 : i32
    %jit3A_135 = arith.constant -1 : i32
    %select_n3A_136 = arith.select %ne3A_130, %jit3A_134, %jit3A_135 : i32
    %broadcast_in_dim3A_137 = vector.broadcast %select_n3A_136 : i32 to vector<16xi32>
    %eq3A_138 = arith.cmpi eq, %iota3A, %broadcast_in_dim3A_137 : vector<16xi32>
    %jit3A_139 = arith.constant 0.000000e+00 : f32
    %broadcast_in_dim3A_140 = vector.broadcast %jit3A_139 : f32 to vector<16xf32>
    %select_n3A_141 = arith.select %eq3A_138, %get3A_133, %broadcast_in_dim3A_140 : vector<16xi1>, vector<16xf32>
    %add3A_142 = arith.addf %add3A_126, %select_n3A_141 : vector<16xf32>
    %slice3A_143 = vector.extract_strided_slice %get3A_11 {offsets = [8], sizes = [1], strides = [1]} : vector<16xi32> to vector<1xi32>
    %squeeze3A_144 = vector.extract %slice3A_143[0] : i32 from vector<1xi32>
    %ne3A_145 = arith.constant 0 : i32
    %ne3A_146 = arith.cmpi ne, %squeeze3A_144, %ne3A_145 : i32
    %get3A_147 = arith.constant 1024 : index
    %get3A_148 = tpu.vector_load %arg5[%get3A_147] {strides = array<i32>} : memref<8192xf32, #tpu.memory_space<vmem>>, vector<16xf32>,
    %get3A_149 = vector.shape_cast %get3A_148 : vector<16xf32> to vector<16xf32>
    %jit3A_150 = arith.constant 0 : i32
    %jit3A_151 = arith.constant -1 : i32
    %select_n3A_152 = arith.select %ne3A_146, %jit3A_150, %jit3A_151 : i32
    %broadcast_in_dim3A_153 = vector.broadcast %select_n3A_152 : i32 to vector<16xi32>
    %eq3A_154 = arith.cmpi eq, %iota3A, %broadcast_in_dim3A_153 : vector<16xi32>
    %jit3A_155 = arith.constant 0.000000e+00 : f32
    %broadcast_in_dim3A_156 = vector.broadcast %jit3A_155 : f32 to vector<16xf32>
    %select_n3A_157 = arith.select %eq3A_154, %get3A_149, %broadcast_in_dim3A_156 : vector<16xi1>, vector<16xf32>
    %add3A_158 = arith.addf %add3A_142, %select_n3A_157 : vector<16xf32>
    %slice3A_159 = vector.extract_strided_slice %get3A_11 {offsets = [9], sizes = [1], strides = [1]} : vector<16xi32> to vector<1xi32>
    %squeeze3A_160 = vector.extract %slice3A_159[0] : i32 from vector<1xi32>
    %ne3A_161 = arith.constant 0 : i32
    %ne3A_162 = arith.cmpi ne, %squeeze3A_160, %ne3A_161 : i32
    %get3A_163 = arith.constant 1152 : index
    %get3A_164 = tpu.vector_load %arg5[%get3A_163] {strides = array<i32>} : memref<8192xf32, #tpu.memory_space<vmem>>, vector<16xf32>,
    %get3A_165 = vector.shape_cast %get3A_164 : vector<16xf32> to vector<16xf32>
    %jit3A_166 = arith.constant 0 : i32
    %jit3A_167 = arith.constant -1 : i32
    %select_n3A_168 = arith.select %ne3A_162, %jit3A_166, %jit3A_167 : i32
    %broadcast_in_dim3A_169 = vector.broadcast %select_n3A_168 : i32 to vector<16xi32>
    %eq3A_170 = arith.cmpi eq, %iota3A, %broadcast_in_dim3A_169 : vector<16xi32>
    %jit3A_171 = arith.constant 0.000000e+00 : f32
    %broadcast_in_dim3A_172 = vector.broadcast %jit3A_171 : f32 to vector<16xf32>
    %select_n3A_173 = arith.select %eq3A_170, %get3A_165, %broadcast_in_dim3A_172 : vector<16xi1>, vector<16xf32>
    %add3A_174 = arith.addf %add3A_158, %select_n3A_173 : vector<16xf32>
    %slice3A_175 = vector.extract_strided_slice %get3A_11 {offsets = [10], sizes = [1], strides = [1]} : vector<16xi32> to vector<1xi32>
    %squeeze3A_176 = vector.extract %slice3A_175[0] : i32 from vector<1xi32>
    %ne3A_177 = arith.constant 0 : i32
    %ne3A_178 = arith.cmpi ne, %squeeze3A_176, %ne3A_177 : i32
    %get3A_179 = arith.constant 1280 : index
    %get3A_180 = tpu.vector_load %arg5[%get3A_179] {strides = array<i32>} : memref<8192xf32, #tpu.memory_space<vmem>>, vector<16xf32>,
    %get3A_181 = vector.shape_cast %get3A_180 : vector<16xf32> to vector<16xf32>
    %jit3A_182 = arith.constant 0 : i32
    %jit3A_183 = arith.constant -1 : i32
    %select_n3A_184 = arith.select %ne3A_178, %jit3A_182, %jit3A_183 : i32
    %broadcast_in_dim3A_185 = vector.broadcast %select_n3A_184 : i32 to vector<16xi32>
    %eq3A_186 = arith.cmpi eq, %iota3A, %broadcast_in_dim3A_185 : vector<16xi32>
    %jit3A_187 = arith.constant 0.000000e+00 : f32
    %broadcast_in_dim3A_188 = vector.broadcast %jit3A_187 : f32 to vector<16xf32>
    %select_n3A_189 = arith.select %eq3A_186, %get3A_181, %broadcast_in_dim3A_188 : vector<16xi1>, vector<16xf32>
    %add3A_190 = arith.addf %add3A_174, %select_n3A_189 : vector<16xf32>
    %slice3A_191 = vector.extract_strided_slice %get3A_11 {offsets = [11], sizes = [1], strides = [1]} : vector<16xi32> to vector<1xi32>
    %squeeze3A_192 = vector.extract %slice3A_191[0] : i32 from vector<1xi32>
    %ne3A_193 = arith.constant 0 : i32
    %ne3A_194 = arith.cmpi ne, %squeeze3A_192, %ne3A_193 : i32
    %get3A_195 = arith.constant 1408 : index
    %get3A_196 = tpu.vector_load %arg5[%get3A_195] {strides = array<i32>} : memref<8192xf32, #tpu.memory_space<vmem>>, vector<16xf32>,
    %get3A_197 = vector.shape_cast %get3A_196 : vector<16xf32> to vector<16xf32>
    %jit3A_198 = arith.constant 0 : i32
    %jit3A_199 = arith.constant -1 : i32
    %select_n3A_200 = arith.select %ne3A_194, %jit3A_198, %jit3A_199 : i32
    %broadcast_in_dim3A_201 = vector.broadcast %select_n3A_200 : i32 to vector<16xi32>
    %eq3A_202 = arith.cmpi eq, %iota3A, %broadcast_in_dim3A_201 : vector<16xi32>
    %jit3A_203 = arith.constant 0.000000e+00 : f32
    %broadcast_in_dim3A_204 = vector.broadcast %jit3A_203 : f32 to vector<16xf32>
    %select_n3A_205 = arith.select %eq3A_202, %get3A_197, %broadcast_in_dim3A_204 : vector<16xi1>, vector<16xf32>
    %add3A_206 = arith.addf %add3A_190, %select_n3A_205 : vector<16xf32>
    %slice3A_207 = vector.extract_strided_slice %get3A_11 {offsets = [12], sizes = [1], strides = [1]} : vector<16xi32> to vector<1xi32>
    %squeeze3A_208 = vector.extract %slice3A_207[0] : i32 from vector<1xi32>
    %ne3A_209 = arith.constant 0 : i32
    %ne3A_210 = arith.cmpi ne, %squeeze3A_208, %ne3A_209 : i32
    %get3A_211 = arith.constant 1536 : index
    %get3A_212 = tpu.vector_load %arg5[%get3A_211] {strides = array<i32>} : memref<8192xf32, #tpu.memory_space<vmem>>, vector<16xf32>,
    %get3A_213 = vector.shape_cast %get3A_212 : vector<16xf32> to vector<16xf32>
    %jit3A_214 = arith.constant 0 : i32
    %jit3A_215 = arith.constant -1 : i32
    %select_n3A_216 = arith.select %ne3A_210, %jit3A_214, %jit3A_215 : i32
    %broadcast_in_dim3A_217 = vector.broadcast %select_n3A_216 : i32 to vector<16xi32>
    %eq3A_218 = arith.cmpi eq, %iota3A, %broadcast_in_dim3A_217 : vector<16xi32>
    %jit3A_219 = arith.constant 0.000000e+00 : f32
    %broadcast_in_dim3A_220 = vector.broadcast %jit3A_219 : f32 to vector<16xf32>
    %select_n3A_221 = arith.select %eq3A_218, %get3A_213, %broadcast_in_dim3A_220 : vector<16xi1>, vector<16xf32>
    %add3A_222 = arith.addf %add3A_206, %select_n3A_221 : vector<16xf32>
    %slice3A_223 = vector.extract_strided_slice %get3A_11 {offsets = [13], sizes = [1], strides = [1]} : vector<16xi32> to vector<1xi32>
    %squeeze3A_224 = vector.extract %slice3A_223[0] : i32 from vector<1xi32>
    %ne3A_225 = arith.constant 0 : i32
    %ne3A_226 = arith.cmpi ne, %squeeze3A_224, %ne3A_225 : i32
    %get3A_227 = arith.constant 1664 : index
    %get3A_228 = tpu.vector_load %arg5[%get3A_227] {strides = array<i32>} : memref<8192xf32, #tpu.memory_space<vmem>>, vector<16xf32>,
    %get3A_229 = vector.shape_cast %get3A_228 : vector<16xf32> to vector<16xf32>
    %jit3A_230 = arith.constant 0 : i32
    %jit3A_231 = arith.constant -1 : i32
    %select_n3A_232 = arith.select %ne3A_226, %jit3A_230, %jit3A_231 : i32
    %broadcast_in_dim3A_233 = vector.broadcast %select_n3A_232 : i32 to vector<16xi32>
    %eq3A_234 = arith.cmpi eq, %iota3A, %broadcast_in_dim3A_233 : vector<16xi32>
    %jit3A_235 = arith.constant 0.000000e+00 : f32
    %broadcast_in_dim3A_236 = vector.broadcast %jit3A_235 : f32 to vector<16xf32>
    %select_n3A_237 = arith.select %eq3A_234, %get3A_229, %broadcast_in_dim3A_236 : vector<16xi1>, vector<16xf32>
    %add3A_238 = arith.addf %add3A_222, %select_n3A_237 : vector<16xf32>
    %slice3A_239 = vector.extract_strided_slice %get3A_11 {offsets = [14], sizes = [1], strides = [1]} : vector<16xi32> to vector<1xi32>
    %squeeze3A_240 = vector.extract %slice3A_239[0] : i32 from vector<1xi32>
    %ne3A_241 = arith.constant 0 : i32
    %ne3A_242 = arith.cmpi ne, %squeeze3A_240, %ne3A_241 : i32
    %get3A_243 = arith.constant 1792 : index
    %get3A_244 = tpu.vector_load %arg5[%get3A_243] {strides = array<i32>} : memref<8192xf32, #tpu.memory_space<vmem>>, vector<16xf32>,
    %get3A_245 = vector.shape_cast %get3A_244 : vector<16xf32> to vector<16xf32>
    %jit3A_246 = arith.constant 0 : i32
    %jit3A_247 = arith.constant -1 : i32
    %select_n3A_248 = arith.select %ne3A_242, %jit3A_246, %jit3A_247 : i32
    %broadcast_in_dim3A_249 = vector.broadcast %select_n3A_248 : i32 to vector<16xi32>
    %eq3A_250 = arith.cmpi eq, %iota3A, %broadcast_in_dim3A_249 : vector<16xi32>
    %jit3A_251 = arith.constant 0.000000e+00 : f32
    %broadcast_in_dim3A_252 = vector.broadcast %jit3A_251 : f32 to vector<16xf32>
    %select_n3A_253 = arith.select %eq3A_250, %get3A_245, %broadcast_in_dim3A_252 : vector<16xi1>, vector<16xf32>
    %add3A_254 = arith.addf %add3A_238, %select_n3A_253 : vector<16xf32>
    %slice3A_255 = vector.extract_strided_slice %get3A_11 {offsets = [15], sizes = [1], strides = [1]} : vector<16xi32> to vector<1xi32>
    %squeeze3A_256 = vector.extract %slice3A_255[0] : i32 from vector<1xi32>
    %ne3A_257 = arith.constant 0 : i32
    %ne3A_258 = arith.cmpi ne, %squeeze3A_256, %ne3A_257 : i32
    %get3A_259 = arith.constant 1920 : index
    %get3A_260 = tpu.vector_load %arg5[%get3A_259] {strides = array<i32>} : memref<8192xf32, #tpu.memory_space<vmem>>, vector<16xf32>,
    %get3A_261 = vector.shape_cast %get3A_260 : vector<16xf32> to vector<16xf32>
    %jit3A_262 = arith.constant 0 : i32
    %jit3A_263 = arith.constant -1 : i32
    %select_n3A_264 = arith.select %ne3A_258, %jit3A_262, %jit3A_263 : i32
    %broadcast_in_dim3A_265 = vector.broadcast %select_n3A_264 : i32 to vector<16xi32>
    %eq3A_266 = arith.cmpi eq, %iota3A, %broadcast_in_dim3A_265 : vector<16xi32>
    %jit3A_267 = arith.constant 0.000000e+00 : f32
    %broadcast_in_dim3A_268 = vector.broadcast %jit3A_267 : f32 to vector<16xf32>
    %select_n3A_269 = arith.select %eq3A_266, %get3A_261, %broadcast_in_dim3A_268 : vector<16xi1>, vector<16xf32>
    %add3A_270 = arith.addf %add3A_254, %select_n3A_269 : vector<16xf32>
    %get3A_271 = arith.constant 16 : index
    %get3A_272 = tpu.vector_load %arg6[%get3A_271] {strides = array<i32>} : memref<64xi32, #tpu.memory_space<vmem>>, vector<16xi32>,
    %get3A_273 = vector.shape_cast %get3A_272 : vector<16xi32> to vector<16xi32>
    %ne3A_274 = arith.constant 0 : i32
    %ne3A_275 = vector.broadcast %ne3A_274 : i32 to vector<16xi32>
    %ne3A_276 = arith.cmpi ne, %get3A_273, %ne3A_275 : vector<16xi32>
    %jit3A_277 = arith.constant 1.000000e+00 : f32
    %jit3A_278 = arith.constant 0.000000e+00 : f32
    %broadcast_in_dim3A_279 = vector.broadcast %jit3A_277 : f32 to vector<16xf32>
    %broadcast_in_dim3A_280 = vector.broadcast %jit3A_278 : f32 to vector<16xf32>
    %select_n3A_281 = arith.select %ne3A_276, %broadcast_in_dim3A_279, %broadcast_in_dim3A_280 : vector<16xi1>, vector<16xf32>
    %add3A_282 = arith.addf %add3A_17, %select_n3A_281 : vector<16xf32>
    %slice3A_283 = vector.extract_strided_slice %get3A_273 {offsets = [0], sizes = [1], strides = [1]} : vector<16xi32> to vector<1xi32>
    %squeeze3A_284 = vector.extract %slice3A_283[0] : i32 from vector<1xi32>
    %ne3A_285 = arith.constant 0 : i32
    %ne3A_286 = arith.cmpi ne, %squeeze3A_284, %ne3A_285 : i32
    %get3A_287 = arith.constant 2048 : index
    %get3A_288 = tpu.vector_load %arg5[%get3A_287] {strides = array<i32>} : memref<8192xf32, #tpu.memory_space<vmem>>, vector<16xf32>,
    %get3A_289 = vector.shape_cast %get3A_288 : vector<16xf32> to vector<16xf32>
    %jit3A_290 = arith.constant 0 : i32
    %jit3A_291 = arith.constant -1 : i32
    %select_n3A_292 = arith.select %ne3A_286, %jit3A_290, %jit3A_291 : i32
    %broadcast_in_dim3A_293 = vector.broadcast %select_n3A_292 : i32 to vector<16xi32>
    %eq3A_294 = arith.cmpi eq, %iota3A, %broadcast_in_dim3A_293 : vector<16xi32>
    %jit3A_295 = arith.constant 0.000000e+00 : f32
    %broadcast_in_dim3A_296 = vector.broadcast %jit3A_295 : f32 to vector<16xf32>
    %select_n3A_297 = arith.select %eq3A_294, %get3A_289, %broadcast_in_dim3A_296 : vector<16xi1>, vector<16xf32>
    %add3A_298 = arith.addf %add3A_270, %select_n3A_297 : vector<16xf32>
    %slice3A_299 = vector.extract_strided_slice %get3A_273 {offsets = [1], sizes = [1], strides = [1]} : vector<16xi32> to vector<1xi32>
    %squeeze3A_300 = vector.extract %slice3A_299[0] : i32 from vector<1xi32>
    %ne3A_301 = arith.constant 0 : i32
    %ne3A_302 = arith.cmpi ne, %squeeze3A_300, %ne3A_301 : i32
    %get3A_303 = arith.constant 2176 : index
    %get3A_304 = tpu.vector_load %arg5[%get3A_303] {strides = array<i32>} : memref<8192xf32, #tpu.memory_space<vmem>>, vector<16xf32>,
    %get3A_305 = vector.shape_cast %get3A_304 : vector<16xf32> to vector<16xf32>
    %jit3A_306 = arith.constant 0 : i32
    %jit3A_307 = arith.constant -1 : i32
    %select_n3A_308 = arith.select %ne3A_302, %jit3A_306, %jit3A_307 : i32
    %broadcast_in_dim3A_309 = vector.broadcast %select_n3A_308 : i32 to vector<16xi32>
    %eq3A_310 = arith.cmpi eq, %iota3A, %broadcast_in_dim3A_309 : vector<16xi32>
    %jit3A_311 = arith.constant 0.000000e+00 : f32
    %broadcast_in_dim3A_312 = vector.broadcast %jit3A_311 : f32 to vector<16xf32>
    %select_n3A_313 = arith.select %eq3A_310, %get3A_305, %broadcast_in_dim3A_312 : vector<16xi1>, vector<16xf32>
    %add3A_314 = arith.addf %add3A_298, %select_n3A_313 : vector<16xf32>
    %slice3A_315 = vector.extract_strided_slice %get3A_273 {offsets = [2], sizes = [1], strides = [1]} : vector<16xi32> to vector<1xi32>
    %squeeze3A_316 = vector.extract %slice3A_315[0] : i32 from vector<1xi32>
    %ne3A_317 = arith.constant 0 : i32
    %ne3A_318 = arith.cmpi ne, %squeeze3A_316, %ne3A_317 : i32
    %get3A_319 = arith.constant 2304 : index
    %get3A_320 = tpu.vector_load %arg5[%get3A_319] {strides = array<i32>} : memref<8192xf32, #tpu.memory_space<vmem>>, vector<16xf32>,
    %get3A_321 = vector.shape_cast %get3A_320 : vector<16xf32> to vector<16xf32>
    %jit3A_322 = arith.constant 0 : i32
    %jit3A_323 = arith.constant -1 : i32
    %select_n3A_324 = arith.select %ne3A_318, %jit3A_322, %jit3A_323 : i32
    %broadcast_in_dim3A_325 = vector.broadcast %select_n3A_324 : i32 to vector<16xi32>
    %eq3A_326 = arith.cmpi eq, %iota3A, %broadcast_in_dim3A_325 : vector<16xi32>
    %jit3A_327 = arith.constant 0.000000e+00 : f32
    %broadcast_in_dim3A_328 = vector.broadcast %jit3A_327 : f32 to vector<16xf32>
    %select_n3A_329 = arith.select %eq3A_326, %get3A_321, %broadcast_in_dim3A_328 : vector<16xi1>, vector<16xf32>
    %add3A_330 = arith.addf %add3A_314, %select_n3A_329 : vector<16xf32>
    %slice3A_331 = vector.extract_strided_slice %get3A_273 {offsets = [3], sizes = [1], strides = [1]} : vector<16xi32> to vector<1xi32>
    %squeeze3A_332 = vector.extract %slice3A_331[0] : i32 from vector<1xi32>
    %ne3A_333 = arith.constant 0 : i32
    %ne3A_334 = arith.cmpi ne, %squeeze3A_332, %ne3A_333 : i32
    %get3A_335 = arith.constant 2432 : index
    %get3A_336 = tpu.vector_load %arg5[%get3A_335] {strides = array<i32>} : memref<8192xf32, #tpu.memory_space<vmem>>, vector<16xf32>,
    %get3A_337 = vector.shape_cast %get3A_336 : vector<16xf32> to vector<16xf32>
    %jit3A_338 = arith.constant 0 : i32
    %jit3A_339 = arith.constant -1 : i32
    %select_n3A_340 = arith.select %ne3A_334, %jit3A_338, %jit3A_339 : i32
    %broadcast_in_dim3A_341 = vector.broadcast %select_n3A_340 : i32 to vector<16xi32>
    %eq3A_342 = arith.cmpi eq, %iota3A, %broadcast_in_dim3A_341 : vector<16xi32>
    %jit3A_343 = arith.constant 0.000000e+00 : f32
    %broadcast_in_dim3A_344 = vector.broadcast %jit3A_343 : f32 to vector<16xf32>
    %select_n3A_345 = arith.select %eq3A_342, %get3A_337, %broadcast_in_dim3A_344 : vector<16xi1>, vector<16xf32>
    %add3A_346 = arith.addf %add3A_330, %select_n3A_345 : vector<16xf32>
    %slice3A_347 = vector.extract_strided_slice %get3A_273 {offsets = [4], sizes = [1], strides = [1]} : vector<16xi32> to vector<1xi32>
    %squeeze3A_348 = vector.extract %slice3A_347[0] : i32 from vector<1xi32>
    %ne3A_349 = arith.constant 0 : i32
    %ne3A_350 = arith.cmpi ne, %squeeze3A_348, %ne3A_349 : i32
    %get3A_351 = arith.constant 2560 : index
    %get3A_352 = tpu.vector_load %arg5[%get3A_351] {strides = array<i32>} : memref<8192xf32, #tpu.memory_space<vmem>>, vector<16xf32>,
    %get3A_353 = vector.shape_cast %get3A_352 : vector<16xf32> to vector<16xf32>
    %jit3A_354 = arith.constant 0 : i32
    %jit3A_355 = arith.constant -1 : i32
    %select_n3A_356 = arith.select %ne3A_350, %jit3A_354, %jit3A_355 : i32
    %broadcast_in_dim3A_357 = vector.broadcast %select_n3A_356 : i32 to vector<16xi32>
    %eq3A_358 = arith.cmpi eq, %iota3A, %broadcast_in_dim3A_357 : vector<16xi32>
    %jit3A_359 = arith.constant 0.000000e+00 : f32
    %broadcast_in_dim3A_360 = vector.broadcast %jit3A_359 : f32 to vector<16xf32>
    %select_n3A_361 = arith.select %eq3A_358, %get3A_353, %broadcast_in_dim3A_360 : vector<16xi1>, vector<16xf32>
    %add3A_362 = arith.addf %add3A_346, %select_n3A_361 : vector<16xf32>
    %slice3A_363 = vector.extract_strided_slice %get3A_273 {offsets = [5], sizes = [1], strides = [1]} : vector<16xi32> to vector<1xi32>
    %squeeze3A_364 = vector.extract %slice3A_363[0] : i32 from vector<1xi32>
    %ne3A_365 = arith.constant 0 : i32
    %ne3A_366 = arith.cmpi ne, %squeeze3A_364, %ne3A_365 : i32
    %get3A_367 = arith.constant 2688 : index
    %get3A_368 = tpu.vector_load %arg5[%get3A_367] {strides = array<i32>} : memref<8192xf32, #tpu.memory_space<vmem>>, vector<16xf32>,
    %get3A_369 = vector.shape_cast %get3A_368 : vector<16xf32> to vector<16xf32>
    %jit3A_370 = arith.constant 0 : i32
    %jit3A_371 = arith.constant -1 : i32
    %select_n3A_372 = arith.select %ne3A_366, %jit3A_370, %jit3A_371 : i32
    %broadcast_in_dim3A_373 = vector.broadcast %select_n3A_372 : i32 to vector<16xi32>
    %eq3A_374 = arith.cmpi eq, %iota3A, %broadcast_in_dim3A_373 : vector<16xi32>
    %jit3A_375 = arith.constant 0.000000e+00 : f32
    %broadcast_in_dim3A_376 = vector.broadcast %jit3A_375 : f32 to vector<16xf32>
    %select_n3A_377 = arith.select %eq3A_374, %get3A_369, %broadcast_in_dim3A_376 : vector<16xi1>, vector<16xf32>
    %add3A_378 = arith.addf %add3A_362, %select_n3A_377 : vector<16xf32>
    %slice3A_379 = vector.extract_strided_slice %get3A_273 {offsets = [6], sizes = [1], strides = [1]} : vector<16xi32> to vector<1xi32>
    %squeeze3A_380 = vector.extract %slice3A_379[0] : i32 from vector<1xi32>
    %ne3A_381 = arith.constant 0 : i32
    %ne3A_382 = arith.cmpi ne, %squeeze3A_380, %ne3A_381 : i32
    %get3A_383 = arith.constant 2816 : index
    %get3A_384 = tpu.vector_load %arg5[%get3A_383] {strides = array<i32>} : memref<8192xf32, #tpu.memory_space<vmem>>, vector<16xf32>,
    %get3A_385 = vector.shape_cast %get3A_384 : vector<16xf32> to vector<16xf32>
    %jit3A_386 = arith.constant 0 : i32
    %jit3A_387 = arith.constant -1 : i32
    %select_n3A_388 = arith.select %ne3A_382, %jit3A_386, %jit3A_387 : i32
    %broadcast_in_dim3A_389 = vector.broadcast %select_n3A_388 : i32 to vector<16xi32>
    %eq3A_390 = arith.cmpi eq, %iota3A, %broadcast_in_dim3A_389 : vector<16xi32>
    %jit3A_391 = arith.constant 0.000000e+00 : f32
    %broadcast_in_dim3A_392 = vector.broadcast %jit3A_391 : f32 to vector<16xf32>
    %select_n3A_393 = arith.select %eq3A_390, %get3A_385, %broadcast_in_dim3A_392 : vector<16xi1>, vector<16xf32>
    %add3A_394 = arith.addf %add3A_378, %select_n3A_393 : vector<16xf32>
    %slice3A_395 = vector.extract_strided_slice %get3A_273 {offsets = [7], sizes = [1], strides = [1]} : vector<16xi32> to vector<1xi32>
    %squeeze3A_396 = vector.extract %slice3A_395[0] : i32 from vector<1xi32>
    %ne3A_397 = arith.constant 0 : i32
    %ne3A_398 = arith.cmpi ne, %squeeze3A_396, %ne3A_397 : i32
    %get3A_399 = arith.constant 2944 : index
    %get3A_400 = tpu.vector_load %arg5[%get3A_399] {strides = array<i32>} : memref<8192xf32, #tpu.memory_space<vmem>>, vector<16xf32>,
    %get3A_401 = vector.shape_cast %get3A_400 : vector<16xf32> to vector<16xf32>
    %jit3A_402 = arith.constant 0 : i32
    %jit3A_403 = arith.constant -1 : i32
    %select_n3A_404 = arith.select %ne3A_398, %jit3A_402, %jit3A_403 : i32
    %broadcast_in_dim3A_405 = vector.broadcast %select_n3A_404 : i32 to vector<16xi32>
    %eq3A_406 = arith.cmpi eq, %iota3A, %broadcast_in_dim3A_405 : vector<16xi32>
    %jit3A_407 = arith.constant 0.000000e+00 : f32
    %broadcast_in_dim3A_408 = vector.broadcast %jit3A_407 : f32 to vector<16xf32>
    %select_n3A_409 = arith.select %eq3A_406, %get3A_401, %broadcast_in_dim3A_408 : vector<16xi1>, vector<16xf32>
    %add3A_410 = arith.addf %add3A_394, %select_n3A_409 : vector<16xf32>
    %slice3A_411 = vector.extract_strided_slice %get3A_273 {offsets = [8], sizes = [1], strides = [1]} : vector<16xi32> to vector<1xi32>
    %squeeze3A_412 = vector.extract %slice3A_411[0] : i32 from vector<1xi32>
    %ne3A_413 = arith.constant 0 : i32
    %ne3A_414 = arith.cmpi ne, %squeeze3A_412, %ne3A_413 : i32
    %get3A_415 = arith.constant 3072 : index
    %get3A_416 = tpu.vector_load %arg5[%get3A_415] {strides = array<i32>} : memref<8192xf32, #tpu.memory_space<vmem>>, vector<16xf32>,
    %get3A_417 = vector.shape_cast %get3A_416 : vector<16xf32> to vector<16xf32>
    %jit3A_418 = arith.constant 0 : i32
    %jit3A_419 = arith.constant -1 : i32
    %select_n3A_420 = arith.select %ne3A_414, %jit3A_418, %jit3A_419 : i32
    %broadcast_in_dim3A_421 = vector.broadcast %select_n3A_420 : i32 to vector<16xi32>
    %eq3A_422 = arith.cmpi eq, %iota3A, %broadcast_in_dim3A_421 : vector<16xi32>
    %jit3A_423 = arith.constant 0.000000e+00 : f32
    %broadcast_in_dim3A_424 = vector.broadcast %jit3A_423 : f32 to vector<16xf32>
    %select_n3A_425 = arith.select %eq3A_422, %get3A_417, %broadcast_in_dim3A_424 : vector<16xi1>, vector<16xf32>
    %add3A_426 = arith.addf %add3A_410, %select_n3A_425 : vector<16xf32>
    %slice3A_427 = vector.extract_strided_slice %get3A_273 {offsets = [9], sizes = [1], strides = [1]} : vector<16xi32> to vector<1xi32>
    %squeeze3A_428 = vector.extract %slice3A_427[0] : i32 from vector<1xi32>
    %ne3A_429 = arith.constant 0 : i32
    %ne3A_430 = arith.cmpi ne, %squeeze3A_428, %ne3A_429 : i32
    %get3A_431 = arith.constant 3200 : index
    %get3A_432 = tpu.vector_load %arg5[%get3A_431] {strides = array<i32>} : memref<8192xf32, #tpu.memory_space<vmem>>, vector<16xf32>,
    %get3A_433 = vector.shape_cast %get3A_432 : vector<16xf32> to vector<16xf32>
    %jit3A_434 = arith.constant 0 : i32
    %jit3A_435 = arith.constant -1 : i32
    %select_n3A_436 = arith.select %ne3A_430, %jit3A_434, %jit3A_435 : i32
    %broadcast_in_dim3A_437 = vector.broadcast %select_n3A_436 : i32 to vector<16xi32>
    %eq3A_438 = arith.cmpi eq, %iota3A, %broadcast_in_dim3A_437 : vector<16xi32>
    %jit3A_439 = arith.constant 0.000000e+00 : f32
    %broadcast_in_dim3A_440 = vector.broadcast %jit3A_439 : f32 to vector<16xf32>
    %select_n3A_441 = arith.select %eq3A_438, %get3A_433, %broadcast_in_dim3A_440 : vector<16xi1>, vector<16xf32>
    %add3A_442 = arith.addf %add3A_426, %select_n3A_441 : vector<16xf32>
    %slice3A_443 = vector.extract_strided_slice %get3A_273 {offsets = [10], sizes = [1], strides = [1]} : vector<16xi32> to vector<1xi32>
    %squeeze3A_444 = vector.extract %slice3A_443[0] : i32 from vector<1xi32>
    %ne3A_445 = arith.constant 0 : i32
    %ne3A_446 = arith.cmpi ne, %squeeze3A_444, %ne3A_445 : i32
    %get3A_447 = arith.constant 3328 : index
    %get3A_448 = tpu.vector_load %arg5[%get3A_447] {strides = array<i32>} : memref<8192xf32, #tpu.memory_space<vmem>>, vector<16xf32>,
    %get3A_449 = vector.shape_cast %get3A_448 : vector<16xf32> to vector<16xf32>
    %jit3A_450 = arith.constant 0 : i32
    %jit3A_451 = arith.constant -1 : i32
    %select_n3A_452 = arith.select %ne3A_446, %jit3A_450, %jit3A_451 : i32
    %broadcast_in_dim3A_453 = vector.broadcast %select_n3A_452 : i32 to vector<16xi32>
    %eq3A_454 = arith.cmpi eq, %iota3A, %broadcast_in_dim3A_453 : vector<16xi32>
    %jit3A_455 = arith.constant 0.000000e+00 : f32
    %broadcast_in_dim3A_456 = vector.broadcast %jit3A_455 : f32 to vector<16xf32>
    %select_n3A_457 = arith.select %eq3A_454, %get3A_449, %broadcast_in_dim3A_456 : vector<16xi1>, vector<16xf32>
    %add3A_458 = arith.addf %add3A_442, %select_n3A_457 : vector<16xf32>
    %slice3A_459 = vector.extract_strided_slice %get3A_273 {offsets = [11], sizes = [1], strides = [1]} : vector<16xi32> to vector<1xi32>
    %squeeze3A_460 = vector.extract %slice3A_459[0] : i32 from vector<1xi32>
    %ne3A_461 = arith.constant 0 : i32
    %ne3A_462 = arith.cmpi ne, %squeeze3A_460, %ne3A_461 : i32
    %get3A_463 = arith.constant 3456 : index
    %get3A_464 = tpu.vector_load %arg5[%get3A_463] {strides = array<i32>} : memref<8192xf32, #tpu.memory_space<vmem>>, vector<16xf32>,
    %get3A_465 = vector.shape_cast %get3A_464 : vector<16xf32> to vector<16xf32>
    %jit3A_466 = arith.constant 0 : i32
    %jit3A_467 = arith.constant -1 : i32
    %select_n3A_468 = arith.select %ne3A_462, %jit3A_466, %jit3A_467 : i32
    %broadcast_in_dim3A_469 = vector.broadcast %select_n3A_468 : i32 to vector<16xi32>
    %eq3A_470 = arith.cmpi eq, %iota3A, %broadcast_in_dim3A_469 : vector<16xi32>
    %jit3A_471 = arith.constant 0.000000e+00 : f32
    %broadcast_in_dim3A_472 = vector.broadcast %jit3A_471 : f32 to vector<16xf32>
    %select_n3A_473 = arith.select %eq3A_470, %get3A_465, %broadcast_in_dim3A_472 : vector<16xi1>, vector<16xf32>
    %add3A_474 = arith.addf %add3A_458, %select_n3A_473 : vector<16xf32>
    %slice3A_475 = vector.extract_strided_slice %get3A_273 {offsets = [12], sizes = [1], strides = [1]} : vector<16xi32> to vector<1xi32>
    %squeeze3A_476 = vector.extract %slice3A_475[0] : i32 from vector<1xi32>
    %ne3A_477 = arith.constant 0 : i32
    %ne3A_478 = arith.cmpi ne, %squeeze3A_476, %ne3A_477 : i32
    %get3A_479 = arith.constant 3584 : index
    %get3A_480 = tpu.vector_load %arg5[%get3A_479] {strides = array<i32>} : memref<8192xf32, #tpu.memory_space<vmem>>, vector<16xf32>,
    %get3A_481 = vector.shape_cast %get3A_480 : vector<16xf32> to vector<16xf32>
    %jit3A_482 = arith.constant 0 : i32
    %jit3A_483 = arith.constant -1 : i32
    %select_n3A_484 = arith.select %ne3A_478, %jit3A_482, %jit3A_483 : i32
    %broadcast_in_dim3A_485 = vector.broadcast %select_n3A_484 : i32 to vector<16xi32>
    %eq3A_486 = arith.cmpi eq, %iota3A, %broadcast_in_dim3A_485 : vector<16xi32>
    %jit3A_487 = arith.constant 0.000000e+00 : f32
    %broadcast_in_dim3A_488 = vector.broadcast %jit3A_487 : f32 to vector<16xf32>
    %select_n3A_489 = arith.select %eq3A_486, %get3A_481, %broadcast_in_dim3A_488 : vector<16xi1>, vector<16xf32>
    %add3A_490 = arith.addf %add3A_474, %select_n3A_489 : vector<16xf32>
    %slice3A_491 = vector.extract_strided_slice %get3A_273 {offsets = [13], sizes = [1], strides = [1]} : vector<16xi32> to vector<1xi32>
    %squeeze3A_492 = vector.extract %slice3A_491[0] : i32 from vector<1xi32>
    %ne3A_493 = arith.constant 0 : i32
    %ne3A_494 = arith.cmpi ne, %squeeze3A_492, %ne3A_493 : i32
    %get3A_495 = arith.constant 3712 : index
    %get3A_496 = tpu.vector_load %arg5[%get3A_495] {strides = array<i32>} : memref<8192xf32, #tpu.memory_space<vmem>>, vector<16xf32>,
    %get3A_497 = vector.shape_cast %get3A_496 : vector<16xf32> to vector<16xf32>
    %jit3A_498 = arith.constant 0 : i32
    %jit3A_499 = arith.constant -1 : i32
    %select_n3A_500 = arith.select %ne3A_494, %jit3A_498, %jit3A_499 : i32
    %broadcast_in_dim3A_501 = vector.broadcast %select_n3A_500 : i32 to vector<16xi32>
    %eq3A_502 = arith.cmpi eq, %iota3A, %broadcast_in_dim3A_501 : vector<16xi32>
    %jit3A_503 = arith.constant 0.000000e+00 : f32
    %broadcast_in_dim3A_504 = vector.broadcast %jit3A_503 : f32 to vector<16xf32>
    %select_n3A_505 = arith.select %eq3A_502, %get3A_497, %broadcast_in_dim3A_504 : vector<16xi1>, vector<16xf32>
    %add3A_506 = arith.addf %add3A_490, %select_n3A_505 : vector<16xf32>
    %slice3A_507 = vector.extract_strided_slice %get3A_273 {offsets = [14], sizes = [1], strides = [1]} : vector<16xi32> to vector<1xi32>
    %squeeze3A_508 = vector.extract %slice3A_507[0] : i32 from vector<1xi32>
    %ne3A_509 = arith.constant 0 : i32
    %ne3A_510 = arith.cmpi ne, %squeeze3A_508, %ne3A_509 : i32
    %get3A_511 = arith.constant 3840 : index
    %get3A_512 = tpu.vector_load %arg5[%get3A_511] {strides = array<i32>} : memref<8192xf32, #tpu.memory_space<vmem>>, vector<16xf32>,
    %get3A_513 = vector.shape_cast %get3A_512 : vector<16xf32> to vector<16xf32>
    %jit3A_514 = arith.constant 0 : i32
    %jit3A_515 = arith.constant -1 : i32
    %select_n3A_516 = arith.select %ne3A_510, %jit3A_514, %jit3A_515 : i32
    %broadcast_in_dim3A_517 = vector.broadcast %select_n3A_516 : i32 to vector<16xi32>
    %eq3A_518 = arith.cmpi eq, %iota3A, %broadcast_in_dim3A_517 : vector<16xi32>
    %jit3A_519 = arith.constant 0.000000e+00 : f32
    %broadcast_in_dim3A_520 = vector.broadcast %jit3A_519 : f32 to vector<16xf32>
    %select_n3A_521 = arith.select %eq3A_518, %get3A_513, %broadcast_in_dim3A_520 : vector<16xi1>, vector<16xf32>
    %add3A_522 = arith.addf %add3A_506, %select_n3A_521 : vector<16xf32>
    %slice3A_523 = vector.extract_strided_slice %get3A_273 {offsets = [15], sizes = [1], strides = [1]} : vector<16xi32> to vector<1xi32>
    %squeeze3A_524 = vector.extract %slice3A_523[0] : i32 from vector<1xi32>
    %ne3A_525 = arith.constant 0 : i32
    %ne3A_526 = arith.cmpi ne, %squeeze3A_524, %ne3A_525 : i32
    %get3A_527 = arith.constant 3968 : index
    %get3A_528 = tpu.vector_load %arg5[%get3A_527] {strides = array<i32>} : memref<8192xf32, #tpu.memory_space<vmem>>, vector<16xf32>,
    %get3A_529 = vector.shape_cast %get3A_528 : vector<16xf32> to vector<16xf32>
    %jit3A_530 = arith.constant 0 : i32
    %jit3A_531 = arith.constant -1 : i32
    %select_n3A_532 = arith.select %ne3A_526, %jit3A_530, %jit3A_531 : i32
    %broadcast_in_dim3A_533 = vector.broadcast %select_n3A_532 : i32 to vector<16xi32>
    %eq3A_534 = arith.cmpi eq, %iota3A, %broadcast_in_dim3A_533 : vector<16xi32>
    %jit3A_535 = arith.constant 0.000000e+00 : f32
    %broadcast_in_dim3A_536 = vector.broadcast %jit3A_535 : f32 to vector<16xf32>
    %select_n3A_537 = arith.select %eq3A_534, %get3A_529, %broadcast_in_dim3A_536 : vector<16xi1>, vector<16xf32>
    %add3A_538 = arith.addf %add3A_522, %select_n3A_537 : vector<16xf32>
    %get3A_539 = arith.constant 32 : index
    %get3A_540 = tpu.vector_load %arg6[%get3A_539] {strides = array<i32>} : memref<64xi32, #tpu.memory_space<vmem>>, vector<16xi32>,
    %get3A_541 = vector.shape_cast %get3A_540 : vector<16xi32> to vector<16xi32>
    %ne3A_542 = arith.constant 0 : i32
    %ne3A_543 = vector.broadcast %ne3A_542 : i32 to vector<16xi32>
    %ne3A_544 = arith.cmpi ne, %get3A_541, %ne3A_543 : vector<16xi32>
    %jit3A_545 = arith.constant 1.000000e+00 : f32
    %jit3A_546 = arith.constant 0.000000e+00 : f32
    %broadcast_in_dim3A_547 = vector.broadcast %jit3A_545 : f32 to vector<16xf32>
    %broadcast_in_dim3A_548 = vector.broadcast %jit3A_546 : f32 to vector<16xf32>
    %select_n3A_549 = arith.select %ne3A_544, %broadcast_in_dim3A_547, %broadcast_in_dim3A_548 : vector<16xi1>, vector<16xf32>
    %add3A_550 = arith.addf %add3A_282, %select_n3A_549 : vector<16xf32>
    %slice3A_551 = vector.extract_strided_slice %get3A_541 {offsets = [0], sizes = [1], strides = [1]} : vector<16xi32> to vector<1xi32>
    %squeeze3A_552 = vector.extract %slice3A_551[0] : i32 from vector<1xi32>
    %ne3A_553 = arith.constant 0 : i32
    %ne3A_554 = arith.cmpi ne, %squeeze3A_552, %ne3A_553 : i32
    %get3A_555 = arith.constant 4096 : index
    %get3A_556 = tpu.vector_load %arg5[%get3A_555] {strides = array<i32>} : memref<8192xf32, #tpu.memory_space<vmem>>, vector<16xf32>,
    %get3A_557 = vector.shape_cast %get3A_556 : vector<16xf32> to vector<16xf32>
    %jit3A_558 = arith.constant 0 : i32
    %jit3A_559 = arith.constant -1 : i32
    %select_n3A_560 = arith.select %ne3A_554, %jit3A_558, %jit3A_559 : i32
    %broadcast_in_dim3A_561 = vector.broadcast %select_n3A_560 : i32 to vector<16xi32>
    %eq3A_562 = arith.cmpi eq, %iota3A, %broadcast_in_dim3A_561 : vector<16xi32>
    %jit3A_563 = arith.constant 0.000000e+00 : f32
    %broadcast_in_dim3A_564 = vector.broadcast %jit3A_563 : f32 to vector<16xf32>
    %select_n3A_565 = arith.select %eq3A_562, %get3A_557, %broadcast_in_dim3A_564 : vector<16xi1>, vector<16xf32>
    %add3A_566 = arith.addf %add3A_538, %select_n3A_565 : vector<16xf32>
    %slice3A_567 = vector.extract_strided_slice %get3A_541 {offsets = [1], sizes = [1], strides = [1]} : vector<16xi32> to vector<1xi32>
    %squeeze3A_568 = vector.extract %slice3A_567[0] : i32 from vector<1xi32>
    %ne3A_569 = arith.constant 0 : i32
    %ne3A_570 = arith.cmpi ne, %squeeze3A_568, %ne3A_569 : i32
    %get3A_571 = arith.constant 4224 : index
    %get3A_572 = tpu.vector_load %arg5[%get3A_571] {strides = array<i32>} : memref<8192xf32, #tpu.memory_space<vmem>>, vector<16xf32>,
    %get3A_573 = vector.shape_cast %get3A_572 : vector<16xf32> to vector<16xf32>
    %jit3A_574 = arith.constant 0 : i32
    %jit3A_575 = arith.constant -1 : i32
    %select_n3A_576 = arith.select %ne3A_570, %jit3A_574, %jit3A_575 : i32
    %broadcast_in_dim3A_577 = vector.broadcast %select_n3A_576 : i32 to vector<16xi32>
    %eq3A_578 = arith.cmpi eq, %iota3A, %broadcast_in_dim3A_577 : vector<16xi32>
    %jit3A_579 = arith.constant 0.000000e+00 : f32
    %broadcast_in_dim3A_580 = vector.broadcast %jit3A_579 : f32 to vector<16xf32>
    %select_n3A_581 = arith.select %eq3A_578, %get3A_573, %broadcast_in_dim3A_580 : vector<16xi1>, vector<16xf32>
    %add3A_582 = arith.addf %add3A_566, %select_n3A_581 : vector<16xf32>
    %slice3A_583 = vector.extract_strided_slice %get3A_541 {offsets = [2], sizes = [1], strides = [1]} : vector<16xi32> to vector<1xi32>
    %squeeze3A_584 = vector.extract %slice3A_583[0] : i32 from vector<1xi32>
    %ne3A_585 = arith.constant 0 : i32
    %ne3A_586 = arith.cmpi ne, %squeeze3A_584, %ne3A_585 : i32
    %get3A_587 = arith.constant 4352 : index
    %get3A_588 = tpu.vector_load %arg5[%get3A_587] {strides = array<i32>} : memref<8192xf32, #tpu.memory_space<vmem>>, vector<16xf32>,
    %get3A_589 = vector.shape_cast %get3A_588 : vector<16xf32> to vector<16xf32>
    %jit3A_590 = arith.constant 0 : i32
    %jit3A_591 = arith.constant -1 : i32
    %select_n3A_592 = arith.select %ne3A_586, %jit3A_590, %jit3A_591 : i32
    %broadcast_in_dim3A_593 = vector.broadcast %select_n3A_592 : i32 to vector<16xi32>
    %eq3A_594 = arith.cmpi eq, %iota3A, %broadcast_in_dim3A_593 : vector<16xi32>
    %jit3A_595 = arith.constant 0.000000e+00 : f32
    %broadcast_in_dim3A_596 = vector.broadcast %jit3A_595 : f32 to vector<16xf32>
    %select_n3A_597 = arith.select %eq3A_594, %get3A_589, %broadcast_in_dim3A_596 : vector<16xi1>, vector<16xf32>
    %add3A_598 = arith.addf %add3A_582, %select_n3A_597 : vector<16xf32>
    %slice3A_599 = vector.extract_strided_slice %get3A_541 {offsets = [3], sizes = [1], strides = [1]} : vector<16xi32> to vector<1xi32>
    %squeeze3A_600 = vector.extract %slice3A_599[0] : i32 from vector<1xi32>
    %ne3A_601 = arith.constant 0 : i32
    %ne3A_602 = arith.cmpi ne, %squeeze3A_600, %ne3A_601 : i32
    %get3A_603 = arith.constant 4480 : index
    %get3A_604 = tpu.vector_load %arg5[%get3A_603] {strides = array<i32>} : memref<8192xf32, #tpu.memory_space<vmem>>, vector<16xf32>,
    %get3A_605 = vector.shape_cast %get3A_604 : vector<16xf32> to vector<16xf32>
    %jit3A_606 = arith.constant 0 : i32
    %jit3A_607 = arith.constant -1 : i32
    %select_n3A_608 = arith.select %ne3A_602, %jit3A_606, %jit3A_607 : i32
    %broadcast_in_dim3A_609 = vector.broadcast %select_n3A_608 : i32 to vector<16xi32>
    %eq3A_610 = arith.cmpi eq, %iota3A, %broadcast_in_dim3A_609 : vector<16xi32>
    %jit3A_611 = arith.constant 0.000000e+00 : f32
    %broadcast_in_dim3A_612 = vector.broadcast %jit3A_611 : f32 to vector<16xf32>
    %select_n3A_613 = arith.select %eq3A_610, %get3A_605, %broadcast_in_dim3A_612 : vector<16xi1>, vector<16xf32>
    %add3A_614 = arith.addf %add3A_598, %select_n3A_613 : vector<16xf32>
    %slice3A_615 = vector.extract_strided_slice %get3A_541 {offsets = [4], sizes = [1], strides = [1]} : vector<16xi32> to vector<1xi32>
    %squeeze3A_616 = vector.extract %slice3A_615[0] : i32 from vector<1xi32>
    %ne3A_617 = arith.constant 0 : i32
    %ne3A_618 = arith.cmpi ne, %squeeze3A_616, %ne3A_617 : i32
    %get3A_619 = arith.constant 4608 : index
    %get3A_620 = tpu.vector_load %arg5[%get3A_619] {strides = array<i32>} : memref<8192xf32, #tpu.memory_space<vmem>>, vector<16xf32>,
    %get3A_621 = vector.shape_cast %get3A_620 : vector<16xf32> to vector<16xf32>
    %jit3A_622 = arith.constant 0 : i32
    %jit3A_623 = arith.constant -1 : i32
    %select_n3A_624 = arith.select %ne3A_618, %jit3A_622, %jit3A_623 : i32
    %broadcast_in_dim3A_625 = vector.broadcast %select_n3A_624 : i32 to vector<16xi32>
    %eq3A_626 = arith.cmpi eq, %iota3A, %broadcast_in_dim3A_625 : vector<16xi32>
    %jit3A_627 = arith.constant 0.000000e+00 : f32
    %broadcast_in_dim3A_628 = vector.broadcast %jit3A_627 : f32 to vector<16xf32>
    %select_n3A_629 = arith.select %eq3A_626, %get3A_621, %broadcast_in_dim3A_628 : vector<16xi1>, vector<16xf32>
    %add3A_630 = arith.addf %add3A_614, %select_n3A_629 : vector<16xf32>
    %slice3A_631 = vector.extract_strided_slice %get3A_541 {offsets = [5], sizes = [1], strides = [1]} : vector<16xi32> to vector<1xi32>
    %squeeze3A_632 = vector.extract %slice3A_631[0] : i32 from vector<1xi32>
    %ne3A_633 = arith.constant 0 : i32
    %ne3A_634 = arith.cmpi ne, %squeeze3A_632, %ne3A_633 : i32
    %get3A_635 = arith.constant 4736 : index
    %get3A_636 = tpu.vector_load %arg5[%get3A_635] {strides = array<i32>} : memref<8192xf32, #tpu.memory_space<vmem>>, vector<16xf32>,
    %get3A_637 = vector.shape_cast %get3A_636 : vector<16xf32> to vector<16xf32>
    %jit3A_638 = arith.constant 0 : i32
    %jit3A_639 = arith.constant -1 : i32
    %select_n3A_640 = arith.select %ne3A_634, %jit3A_638, %jit3A_639 : i32
    %broadcast_in_dim3A_641 = vector.broadcast %select_n3A_640 : i32 to vector<16xi32>
    %eq3A_642 = arith.cmpi eq, %iota3A, %broadcast_in_dim3A_641 : vector<16xi32>
    %jit3A_643 = arith.constant 0.000000e+00 : f32
    %broadcast_in_dim3A_644 = vector.broadcast %jit3A_643 : f32 to vector<16xf32>
    %select_n3A_645 = arith.select %eq3A_642, %get3A_637, %broadcast_in_dim3A_644 : vector<16xi1>, vector<16xf32>
    %add3A_646 = arith.addf %add3A_630, %select_n3A_645 : vector<16xf32>
    %slice3A_647 = vector.extract_strided_slice %get3A_541 {offsets = [6], sizes = [1], strides = [1]} : vector<16xi32> to vector<1xi32>
    %squeeze3A_648 = vector.extract %slice3A_647[0] : i32 from vector<1xi32>
    %ne3A_649 = arith.constant 0 : i32
    %ne3A_650 = arith.cmpi ne, %squeeze3A_648, %ne3A_649 : i32
    %get3A_651 = arith.constant 4864 : index
    %get3A_652 = tpu.vector_load %arg5[%get3A_651] {strides = array<i32>} : memref<8192xf32, #tpu.memory_space<vmem>>, vector<16xf32>,
    %get3A_653 = vector.shape_cast %get3A_652 : vector<16xf32> to vector<16xf32>
    %jit3A_654 = arith.constant 0 : i32
    %jit3A_655 = arith.constant -1 : i32
    %select_n3A_656 = arith.select %ne3A_650, %jit3A_654, %jit3A_655 : i32
    %broadcast_in_dim3A_657 = vector.broadcast %select_n3A_656 : i32 to vector<16xi32>
    %eq3A_658 = arith.cmpi eq, %iota3A, %broadcast_in_dim3A_657 : vector<16xi32>
    %jit3A_659 = arith.constant 0.000000e+00 : f32
    %broadcast_in_dim3A_660 = vector.broadcast %jit3A_659 : f32 to vector<16xf32>
    %select_n3A_661 = arith.select %eq3A_658, %get3A_653, %broadcast_in_dim3A_660 : vector<16xi1>, vector<16xf32>
    %add3A_662 = arith.addf %add3A_646, %select_n3A_661 : vector<16xf32>
    %slice3A_663 = vector.extract_strided_slice %get3A_541 {offsets = [7], sizes = [1], strides = [1]} : vector<16xi32> to vector<1xi32>
    %squeeze3A_664 = vector.extract %slice3A_663[0] : i32 from vector<1xi32>
    %ne3A_665 = arith.constant 0 : i32
    %ne3A_666 = arith.cmpi ne, %squeeze3A_664, %ne3A_665 : i32
    %get3A_667 = arith.constant 4992 : index
    %get3A_668 = tpu.vector_load %arg5[%get3A_667] {strides = array<i32>} : memref<8192xf32, #tpu.memory_space<vmem>>, vector<16xf32>,
    %get3A_669 = vector.shape_cast %get3A_668 : vector<16xf32> to vector<16xf32>
    %jit3A_670 = arith.constant 0 : i32
    %jit3A_671 = arith.constant -1 : i32
    %select_n3A_672 = arith.select %ne3A_666, %jit3A_670, %jit3A_671 : i32
    %broadcast_in_dim3A_673 = vector.broadcast %select_n3A_672 : i32 to vector<16xi32>
    %eq3A_674 = arith.cmpi eq, %iota3A, %broadcast_in_dim3A_673 : vector<16xi32>
    %jit3A_675 = arith.constant 0.000000e+00 : f32
    %broadcast_in_dim3A_676 = vector.broadcast %jit3A_675 : f32 to vector<16xf32>
    %select_n3A_677 = arith.select %eq3A_674, %get3A_669, %broadcast_in_dim3A_676 : vector<16xi1>, vector<16xf32>
    %add3A_678 = arith.addf %add3A_662, %select_n3A_677 : vector<16xf32>
    %slice3A_679 = vector.extract_strided_slice %get3A_541 {offsets = [8], sizes = [1], strides = [1]} : vector<16xi32> to vector<1xi32>
    %squeeze3A_680 = vector.extract %slice3A_679[0] : i32 from vector<1xi32>
    %ne3A_681 = arith.constant 0 : i32
    %ne3A_682 = arith.cmpi ne, %squeeze3A_680, %ne3A_681 : i32
    %get3A_683 = arith.constant 5120 : index
    %get3A_684 = tpu.vector_load %arg5[%get3A_683] {strides = array<i32>} : memref<8192xf32, #tpu.memory_space<vmem>>, vector<16xf32>,
    %get3A_685 = vector.shape_cast %get3A_684 : vector<16xf32> to vector<16xf32>
    %jit3A_686 = arith.constant 0 : i32
    %jit3A_687 = arith.constant -1 : i32
    %select_n3A_688 = arith.select %ne3A_682, %jit3A_686, %jit3A_687 : i32
    %broadcast_in_dim3A_689 = vector.broadcast %select_n3A_688 : i32 to vector<16xi32>
    %eq3A_690 = arith.cmpi eq, %iota3A, %broadcast_in_dim3A_689 : vector<16xi32>
    %jit3A_691 = arith.constant 0.000000e+00 : f32
    %broadcast_in_dim3A_692 = vector.broadcast %jit3A_691 : f32 to vector<16xf32>
    %select_n3A_693 = arith.select %eq3A_690, %get3A_685, %broadcast_in_dim3A_692 : vector<16xi1>, vector<16xf32>
    %add3A_694 = arith.addf %add3A_678, %select_n3A_693 : vector<16xf32>
    %slice3A_695 = vector.extract_strided_slice %get3A_541 {offsets = [9], sizes = [1], strides = [1]} : vector<16xi32> to vector<1xi32>
    %squeeze3A_696 = vector.extract %slice3A_695[0] : i32 from vector<1xi32>
    %ne3A_697 = arith.constant 0 : i32
    %ne3A_698 = arith.cmpi ne, %squeeze3A_696, %ne3A_697 : i32
    %get3A_699 = arith.constant 5248 : index
    %get3A_700 = tpu.vector_load %arg5[%get3A_699] {strides = array<i32>} : memref<8192xf32, #tpu.memory_space<vmem>>, vector<16xf32>,
    %get3A_701 = vector.shape_cast %get3A_700 : vector<16xf32> to vector<16xf32>
    %jit3A_702 = arith.constant 0 : i32
    %jit3A_703 = arith.constant -1 : i32
    %select_n3A_704 = arith.select %ne3A_698, %jit3A_702, %jit3A_703 : i32
    %broadcast_in_dim3A_705 = vector.broadcast %select_n3A_704 : i32 to vector<16xi32>
    %eq3A_706 = arith.cmpi eq, %iota3A, %broadcast_in_dim3A_705 : vector<16xi32>
    %jit3A_707 = arith.constant 0.000000e+00 : f32
    %broadcast_in_dim3A_708 = vector.broadcast %jit3A_707 : f32 to vector<16xf32>
    %select_n3A_709 = arith.select %eq3A_706, %get3A_701, %broadcast_in_dim3A_708 : vector<16xi1>, vector<16xf32>
    %add3A_710 = arith.addf %add3A_694, %select_n3A_709 : vector<16xf32>
    %slice3A_711 = vector.extract_strided_slice %get3A_541 {offsets = [10], sizes = [1], strides = [1]} : vector<16xi32> to vector<1xi32>
    %squeeze3A_712 = vector.extract %slice3A_711[0] : i32 from vector<1xi32>
    %ne3A_713 = arith.constant 0 : i32
    %ne3A_714 = arith.cmpi ne, %squeeze3A_712, %ne3A_713 : i32
    %get3A_715 = arith.constant 5376 : index
    %get3A_716 = tpu.vector_load %arg5[%get3A_715] {strides = array<i32>} : memref<8192xf32, #tpu.memory_space<vmem>>, vector<16xf32>,
    %get3A_717 = vector.shape_cast %get3A_716 : vector<16xf32> to vector<16xf32>
    %jit3A_718 = arith.constant 0 : i32
    %jit3A_719 = arith.constant -1 : i32
    %select_n3A_720 = arith.select %ne3A_714, %jit3A_718, %jit3A_719 : i32
    %broadcast_in_dim3A_721 = vector.broadcast %select_n3A_720 : i32 to vector<16xi32>
    %eq3A_722 = arith.cmpi eq, %iota3A, %broadcast_in_dim3A_721 : vector<16xi32>
    %jit3A_723 = arith.constant 0.000000e+00 : f32
    %broadcast_in_dim3A_724 = vector.broadcast %jit3A_723 : f32 to vector<16xf32>
    %select_n3A_725 = arith.select %eq3A_722, %get3A_717, %broadcast_in_dim3A_724 : vector<16xi1>, vector<16xf32>
    %add3A_726 = arith.addf %add3A_710, %select_n3A_725 : vector<16xf32>
    %slice3A_727 = vector.extract_strided_slice %get3A_541 {offsets = [11], sizes = [1], strides = [1]} : vector<16xi32> to vector<1xi32>
    %squeeze3A_728 = vector.extract %slice3A_727[0] : i32 from vector<1xi32>
    %ne3A_729 = arith.constant 0 : i32
    %ne3A_730 = arith.cmpi ne, %squeeze3A_728, %ne3A_729 : i32
    %get3A_731 = arith.constant 5504 : index
    %get3A_732 = tpu.vector_load %arg5[%get3A_731] {strides = array<i32>} : memref<8192xf32, #tpu.memory_space<vmem>>, vector<16xf32>,
    %get3A_733 = vector.shape_cast %get3A_732 : vector<16xf32> to vector<16xf32>
    %jit3A_734 = arith.constant 0 : i32
    %jit3A_735 = arith.constant -1 : i32
    %select_n3A_736 = arith.select %ne3A_730, %jit3A_734, %jit3A_735 : i32
    %broadcast_in_dim3A_737 = vector.broadcast %select_n3A_736 : i32 to vector<16xi32>
    %eq3A_738 = arith.cmpi eq, %iota3A, %broadcast_in_dim3A_737 : vector<16xi32>
    %jit3A_739 = arith.constant 0.000000e+00 : f32
    %broadcast_in_dim3A_740 = vector.broadcast %jit3A_739 : f32 to vector<16xf32>
    %select_n3A_741 = arith.select %eq3A_738, %get3A_733, %broadcast_in_dim3A_740 : vector<16xi1>, vector<16xf32>
    %add3A_742 = arith.addf %add3A_726, %select_n3A_741 : vector<16xf32>
    %slice3A_743 = vector.extract_strided_slice %get3A_541 {offsets = [12], sizes = [1], strides = [1]} : vector<16xi32> to vector<1xi32>
    %squeeze3A_744 = vector.extract %slice3A_743[0] : i32 from vector<1xi32>
    %ne3A_745 = arith.constant 0 : i32
    %ne3A_746 = arith.cmpi ne, %squeeze3A_744, %ne3A_745 : i32
    %get3A_747 = arith.constant 5632 : index
    %get3A_748 = tpu.vector_load %arg5[%get3A_747] {strides = array<i32>} : memref<8192xf32, #tpu.memory_space<vmem>>, vector<16xf32>,
    %get3A_749 = vector.shape_cast %get3A_748 : vector<16xf32> to vector<16xf32>
    %jit3A_750 = arith.constant 0 : i32
    %jit3A_751 = arith.constant -1 : i32
    %select_n3A_752 = arith.select %ne3A_746, %jit3A_750, %jit3A_751 : i32
    %broadcast_in_dim3A_753 = vector.broadcast %select_n3A_752 : i32 to vector<16xi32>
    %eq3A_754 = arith.cmpi eq, %iota3A, %broadcast_in_dim3A_753 : vector<16xi32>
    %jit3A_755 = arith.constant 0.000000e+00 : f32
    %broadcast_in_dim3A_756 = vector.broadcast %jit3A_755 : f32 to vector<16xf32>
    %select_n3A_757 = arith.select %eq3A_754, %get3A_749, %broadcast_in_dim3A_756 : vector<16xi1>, vector<16xf32>
    %add3A_758 = arith.addf %add3A_742, %select_n3A_757 : vector<16xf32>
    %slice3A_759 = vector.extract_strided_slice %get3A_541 {offsets = [13], sizes = [1], strides = [1]} : vector<16xi32> to vector<1xi32>
    %squeeze3A_760 = vector.extract %slice3A_759[0] : i32 from vector<1xi32>
    %ne3A_761 = arith.constant 0 : i32
    %ne3A_762 = arith.cmpi ne, %squeeze3A_760, %ne3A_761 : i32
    %get3A_763 = arith.constant 5760 : index
    %get3A_764 = tpu.vector_load %arg5[%get3A_763] {strides = array<i32>} : memref<8192xf32, #tpu.memory_space<vmem>>, vector<16xf32>,
    %get3A_765 = vector.shape_cast %get3A_764 : vector<16xf32> to vector<16xf32>
    %jit3A_766 = arith.constant 0 : i32
    %jit3A_767 = arith.constant -1 : i32
    %select_n3A_768 = arith.select %ne3A_762, %jit3A_766, %jit3A_767 : i32
    %broadcast_in_dim3A_769 = vector.broadcast %select_n3A_768 : i32 to vector<16xi32>
    %eq3A_770 = arith.cmpi eq, %iota3A, %broadcast_in_dim3A_769 : vector<16xi32>
    %jit3A_771 = arith.constant 0.000000e+00 : f32
    %broadcast_in_dim3A_772 = vector.broadcast %jit3A_771 : f32 to vector<16xf32>
    %select_n3A_773 = arith.select %eq3A_770, %get3A_765, %broadcast_in_dim3A_772 : vector<16xi1>, vector<16xf32>
    %add3A_774 = arith.addf %add3A_758, %select_n3A_773 : vector<16xf32>
    %slice3A_775 = vector.extract_strided_slice %get3A_541 {offsets = [14], sizes = [1], strides = [1]} : vector<16xi32> to vector<1xi32>
    %squeeze3A_776 = vector.extract %slice3A_775[0] : i32 from vector<1xi32>
    %ne3A_777 = arith.constant 0 : i32
    %ne3A_778 = arith.cmpi ne, %squeeze3A_776, %ne3A_777 : i32
    %get3A_779 = arith.constant 5888 : index
    %get3A_780 = tpu.vector_load %arg5[%get3A_779] {strides = array<i32>} : memref<8192xf32, #tpu.memory_space<vmem>>, vector<16xf32>,
    %get3A_781 = vector.shape_cast %get3A_780 : vector<16xf32> to vector<16xf32>
    %jit3A_782 = arith.constant 0 : i32
    %jit3A_783 = arith.constant -1 : i32
    %select_n3A_784 = arith.select %ne3A_778, %jit3A_782, %jit3A_783 : i32
    %broadcast_in_dim3A_785 = vector.broadcast %select_n3A_784 : i32 to vector<16xi32>
    %eq3A_786 = arith.cmpi eq, %iota3A, %broadcast_in_dim3A_785 : vector<16xi32>
    %jit3A_787 = arith.constant 0.000000e+00 : f32
    %broadcast_in_dim3A_788 = vector.broadcast %jit3A_787 : f32 to vector<16xf32>
    %select_n3A_789 = arith.select %eq3A_786, %get3A_781, %broadcast_in_dim3A_788 : vector<16xi1>, vector<16xf32>
    %add3A_790 = arith.addf %add3A_774, %select_n3A_789 : vector<16xf32>
    %slice3A_791 = vector.extract_strided_slice %get3A_541 {offsets = [15], sizes = [1], strides = [1]} : vector<16xi32> to vector<1xi32>
    %squeeze3A_792 = vector.extract %slice3A_791[0] : i32 from vector<1xi32>
    %ne3A_793 = arith.constant 0 : i32
    %ne3A_794 = arith.cmpi ne, %squeeze3A_792, %ne3A_793 : i32
    %get3A_795 = arith.constant 6016 : index
    %get3A_796 = tpu.vector_load %arg5[%get3A_795] {strides = array<i32>} : memref<8192xf32, #tpu.memory_space<vmem>>, vector<16xf32>,
    %get3A_797 = vector.shape_cast %get3A_796 : vector<16xf32> to vector<16xf32>
    %jit3A_798 = arith.constant 0 : i32
    %jit3A_799 = arith.constant -1 : i32
    %select_n3A_800 = arith.select %ne3A_794, %jit3A_798, %jit3A_799 : i32
    %broadcast_in_dim3A_801 = vector.broadcast %select_n3A_800 : i32 to vector<16xi32>
    %eq3A_802 = arith.cmpi eq, %iota3A, %broadcast_in_dim3A_801 : vector<16xi32>
    %jit3A_803 = arith.constant 0.000000e+00 : f32
    %broadcast_in_dim3A_804 = vector.broadcast %jit3A_803 : f32 to vector<16xf32>
    %select_n3A_805 = arith.select %eq3A_802, %get3A_797, %broadcast_in_dim3A_804 : vector<16xi1>, vector<16xf32>
    %add3A_806 = arith.addf %add3A_790, %select_n3A_805 : vector<16xf32>
    %get3A_807 = arith.constant 48 : index
    %get3A_808 = tpu.vector_load %arg6[%get3A_807] {strides = array<i32>} : memref<64xi32, #tpu.memory_space<vmem>>, vector<16xi32>,
    %get3A_809 = vector.shape_cast %get3A_808 : vector<16xi32> to vector<16xi32>
    %ne3A_810 = arith.constant 0 : i32
    %ne3A_811 = vector.broadcast %ne3A_810 : i32 to vector<16xi32>
    %ne3A_812 = arith.cmpi ne, %get3A_809, %ne3A_811 : vector<16xi32>
    %jit3A_813 = arith.constant 1.000000e+00 : f32
    %jit3A_814 = arith.constant 0.000000e+00 : f32
    %broadcast_in_dim3A_815 = vector.broadcast %jit3A_813 : f32 to vector<16xf32>
    %broadcast_in_dim3A_816 = vector.broadcast %jit3A_814 : f32 to vector<16xf32>
    %select_n3A_817 = arith.select %ne3A_812, %broadcast_in_dim3A_815, %broadcast_in_dim3A_816 : vector<16xi1>, vector<16xf32>
    %add3A_818 = arith.addf %add3A_550, %select_n3A_817 : vector<16xf32>
    %slice3A_819 = vector.extract_strided_slice %get3A_809 {offsets = [0], sizes = [1], strides = [1]} : vector<16xi32> to vector<1xi32>
    %squeeze3A_820 = vector.extract %slice3A_819[0] : i32 from vector<1xi32>
    %ne3A_821 = arith.constant 0 : i32
    %ne3A_822 = arith.cmpi ne, %squeeze3A_820, %ne3A_821 : i32
    %get3A_823 = arith.constant 6144 : index
    %get3A_824 = tpu.vector_load %arg5[%get3A_823] {strides = array<i32>} : memref<8192xf32, #tpu.memory_space<vmem>>, vector<16xf32>,
    %get3A_825 = vector.shape_cast %get3A_824 : vector<16xf32> to vector<16xf32>
    %jit3A_826 = arith.constant 0 : i32
    %jit3A_827 = arith.constant -1 : i32
    %select_n3A_828 = arith.select %ne3A_822, %jit3A_826, %jit3A_827 : i32
    %broadcast_in_dim3A_829 = vector.broadcast %select_n3A_828 : i32 to vector<16xi32>
    %eq3A_830 = arith.cmpi eq, %iota3A, %broadcast_in_dim3A_829 : vector<16xi32>
    %jit3A_831 = arith.constant 0.000000e+00 : f32
    %broadcast_in_dim3A_832 = vector.broadcast %jit3A_831 : f32 to vector<16xf32>
    %select_n3A_833 = arith.select %eq3A_830, %get3A_825, %broadcast_in_dim3A_832 : vector<16xi1>, vector<16xf32>
    %add3A_834 = arith.addf %add3A_806, %select_n3A_833 : vector<16xf32>
    %slice3A_835 = vector.extract_strided_slice %get3A_809 {offsets = [1], sizes = [1], strides = [1]} : vector<16xi32> to vector<1xi32>
    %squeeze3A_836 = vector.extract %slice3A_835[0] : i32 from vector<1xi32>
    %ne3A_837 = arith.constant 0 : i32
    %ne3A_838 = arith.cmpi ne, %squeeze3A_836, %ne3A_837 : i32
    %get3A_839 = arith.constant 6272 : index
    %get3A_840 = tpu.vector_load %arg5[%get3A_839] {strides = array<i32>} : memref<8192xf32, #tpu.memory_space<vmem>>, vector<16xf32>,
    %get3A_841 = vector.shape_cast %get3A_840 : vector<16xf32> to vector<16xf32>
    %jit3A_842 = arith.constant 0 : i32
    %jit3A_843 = arith.constant -1 : i32
    %select_n3A_844 = arith.select %ne3A_838, %jit3A_842, %jit3A_843 : i32
    %broadcast_in_dim3A_845 = vector.broadcast %select_n3A_844 : i32 to vector<16xi32>
    %eq3A_846 = arith.cmpi eq, %iota3A, %broadcast_in_dim3A_845 : vector<16xi32>
    %jit3A_847 = arith.constant 0.000000e+00 : f32
    %broadcast_in_dim3A_848 = vector.broadcast %jit3A_847 : f32 to vector<16xf32>
    %select_n3A_849 = arith.select %eq3A_846, %get3A_841, %broadcast_in_dim3A_848 : vector<16xi1>, vector<16xf32>
    %add3A_850 = arith.addf %add3A_834, %select_n3A_849 : vector<16xf32>
    %slice3A_851 = vector.extract_strided_slice %get3A_809 {offsets = [2], sizes = [1], strides = [1]} : vector<16xi32> to vector<1xi32>
    %squeeze3A_852 = vector.extract %slice3A_851[0] : i32 from vector<1xi32>
    %ne3A_853 = arith.constant 0 : i32
    %ne3A_854 = arith.cmpi ne, %squeeze3A_852, %ne3A_853 : i32
    %get3A_855 = arith.constant 6400 : index
    %get3A_856 = tpu.vector_load %arg5[%get3A_855] {strides = array<i32>} : memref<8192xf32, #tpu.memory_space<vmem>>, vector<16xf32>,
    %get3A_857 = vector.shape_cast %get3A_856 : vector<16xf32> to vector<16xf32>
    %jit3A_858 = arith.constant 0 : i32
    %jit3A_859 = arith.constant -1 : i32
    %select_n3A_860 = arith.select %ne3A_854, %jit3A_858, %jit3A_859 : i32
    %broadcast_in_dim3A_861 = vector.broadcast %select_n3A_860 : i32 to vector<16xi32>
    %eq3A_862 = arith.cmpi eq, %iota3A, %broadcast_in_dim3A_861 : vector<16xi32>
    %jit3A_863 = arith.constant 0.000000e+00 : f32
    %broadcast_in_dim3A_864 = vector.broadcast %jit3A_863 : f32 to vector<16xf32>
    %select_n3A_865 = arith.select %eq3A_862, %get3A_857, %broadcast_in_dim3A_864 : vector<16xi1>, vector<16xf32>
    %add3A_866 = arith.addf %add3A_850, %select_n3A_865 : vector<16xf32>
    %slice3A_867 = vector.extract_strided_slice %get3A_809 {offsets = [3], sizes = [1], strides = [1]} : vector<16xi32> to vector<1xi32>
    %squeeze3A_868 = vector.extract %slice3A_867[0] : i32 from vector<1xi32>
    %ne3A_869 = arith.constant 0 : i32
    %ne3A_870 = arith.cmpi ne, %squeeze3A_868, %ne3A_869 : i32
    %get3A_871 = arith.constant 6528 : index
    %get3A_872 = tpu.vector_load %arg5[%get3A_871] {strides = array<i32>} : memref<8192xf32, #tpu.memory_space<vmem>>, vector<16xf32>,
    %get3A_873 = vector.shape_cast %get3A_872 : vector<16xf32> to vector<16xf32>
    %jit3A_874 = arith.constant 0 : i32
    %jit3A_875 = arith.constant -1 : i32
    %select_n3A_876 = arith.select %ne3A_870, %jit3A_874, %jit3A_875 : i32
    %broadcast_in_dim3A_877 = vector.broadcast %select_n3A_876 : i32 to vector<16xi32>
    %eq3A_878 = arith.cmpi eq, %iota3A, %broadcast_in_dim3A_877 : vector<16xi32>
    %jit3A_879 = arith.constant 0.000000e+00 : f32
    %broadcast_in_dim3A_880 = vector.broadcast %jit3A_879 : f32 to vector<16xf32>
    %select_n3A_881 = arith.select %eq3A_878, %get3A_873, %broadcast_in_dim3A_880 : vector<16xi1>, vector<16xf32>
    %add3A_882 = arith.addf %add3A_866, %select_n3A_881 : vector<16xf32>
    %slice3A_883 = vector.extract_strided_slice %get3A_809 {offsets = [4], sizes = [1], strides = [1]} : vector<16xi32> to vector<1xi32>
    %squeeze3A_884 = vector.extract %slice3A_883[0] : i32 from vector<1xi32>
    %ne3A_885 = arith.constant 0 : i32
    %ne3A_886 = arith.cmpi ne, %squeeze3A_884, %ne3A_885 : i32
    %get3A_887 = arith.constant 6656 : index
    %get3A_888 = tpu.vector_load %arg5[%get3A_887] {strides = array<i32>} : memref<8192xf32, #tpu.memory_space<vmem>>, vector<16xf32>,
    %get3A_889 = vector.shape_cast %get3A_888 : vector<16xf32> to vector<16xf32>
    %jit3A_890 = arith.constant 0 : i32
    %jit3A_891 = arith.constant -1 : i32
    %select_n3A_892 = arith.select %ne3A_886, %jit3A_890, %jit3A_891 : i32
    %broadcast_in_dim3A_893 = vector.broadcast %select_n3A_892 : i32 to vector<16xi32>
    %eq3A_894 = arith.cmpi eq, %iota3A, %broadcast_in_dim3A_893 : vector<16xi32>
    %jit3A_895 = arith.constant 0.000000e+00 : f32
    %broadcast_in_dim3A_896 = vector.broadcast %jit3A_895 : f32 to vector<16xf32>
    %select_n3A_897 = arith.select %eq3A_894, %get3A_889, %broadcast_in_dim3A_896 : vector<16xi1>, vector<16xf32>
    %add3A_898 = arith.addf %add3A_882, %select_n3A_897 : vector<16xf32>
    %slice3A_899 = vector.extract_strided_slice %get3A_809 {offsets = [5], sizes = [1], strides = [1]} : vector<16xi32> to vector<1xi32>
    %squeeze3A_900 = vector.extract %slice3A_899[0] : i32 from vector<1xi32>
    %ne3A_901 = arith.constant 0 : i32
    %ne3A_902 = arith.cmpi ne, %squeeze3A_900, %ne3A_901 : i32
    %get3A_903 = arith.constant 6784 : index
    %get3A_904 = tpu.vector_load %arg5[%get3A_903] {strides = array<i32>} : memref<8192xf32, #tpu.memory_space<vmem>>, vector<16xf32>,
    %get3A_905 = vector.shape_cast %get3A_904 : vector<16xf32> to vector<16xf32>
    %jit3A_906 = arith.constant 0 : i32
    %jit3A_907 = arith.constant -1 : i32
    %select_n3A_908 = arith.select %ne3A_902, %jit3A_906, %jit3A_907 : i32
    %broadcast_in_dim3A_909 = vector.broadcast %select_n3A_908 : i32 to vector<16xi32>
    %eq3A_910 = arith.cmpi eq, %iota3A, %broadcast_in_dim3A_909 : vector<16xi32>
    %jit3A_911 = arith.constant 0.000000e+00 : f32
    %broadcast_in_dim3A_912 = vector.broadcast %jit3A_911 : f32 to vector<16xf32>
    %select_n3A_913 = arith.select %eq3A_910, %get3A_905, %broadcast_in_dim3A_912 : vector<16xi1>, vector<16xf32>
    %add3A_914 = arith.addf %add3A_898, %select_n3A_913 : vector<16xf32>
    %slice3A_915 = vector.extract_strided_slice %get3A_809 {offsets = [6], sizes = [1], strides = [1]} : vector<16xi32> to vector<1xi32>
    %squeeze3A_916 = vector.extract %slice3A_915[0] : i32 from vector<1xi32>
    %ne3A_917 = arith.constant 0 : i32
    %ne3A_918 = arith.cmpi ne, %squeeze3A_916, %ne3A_917 : i32
    %get3A_919 = arith.constant 6912 : index
    %get3A_920 = tpu.vector_load %arg5[%get3A_919] {strides = array<i32>} : memref<8192xf32, #tpu.memory_space<vmem>>, vector<16xf32>,
    %get3A_921 = vector.shape_cast %get3A_920 : vector<16xf32> to vector<16xf32>
    %jit3A_922 = arith.constant 0 : i32
    %jit3A_923 = arith.constant -1 : i32
    %select_n3A_924 = arith.select %ne3A_918, %jit3A_922, %jit3A_923 : i32
    %broadcast_in_dim3A_925 = vector.broadcast %select_n3A_924 : i32 to vector<16xi32>
    %eq3A_926 = arith.cmpi eq, %iota3A, %broadcast_in_dim3A_925 : vector<16xi32>
    %jit3A_927 = arith.constant 0.000000e+00 : f32
    %broadcast_in_dim3A_928 = vector.broadcast %jit3A_927 : f32 to vector<16xf32>
    %select_n3A_929 = arith.select %eq3A_926, %get3A_921, %broadcast_in_dim3A_928 : vector<16xi1>, vector<16xf32>
    %add3A_930 = arith.addf %add3A_914, %select_n3A_929 : vector<16xf32>
    %slice3A_931 = vector.extract_strided_slice %get3A_809 {offsets = [7], sizes = [1], strides = [1]} : vector<16xi32> to vector<1xi32>
    %squeeze3A_932 = vector.extract %slice3A_931[0] : i32 from vector<1xi32>
    %ne3A_933 = arith.constant 0 : i32
    %ne3A_934 = arith.cmpi ne, %squeeze3A_932, %ne3A_933 : i32
    %get3A_935 = arith.constant 7040 : index
    %get3A_936 = tpu.vector_load %arg5[%get3A_935] {strides = array<i32>} : memref<8192xf32, #tpu.memory_space<vmem>>, vector<16xf32>,
    %get3A_937 = vector.shape_cast %get3A_936 : vector<16xf32> to vector<16xf32>
    %jit3A_938 = arith.constant 0 : i32
    %jit3A_939 = arith.constant -1 : i32
    %select_n3A_940 = arith.select %ne3A_934, %jit3A_938, %jit3A_939 : i32
    %broadcast_in_dim3A_941 = vector.broadcast %select_n3A_940 : i32 to vector<16xi32>
    %eq3A_942 = arith.cmpi eq, %iota3A, %broadcast_in_dim3A_941 : vector<16xi32>
    %jit3A_943 = arith.constant 0.000000e+00 : f32
    %broadcast_in_dim3A_944 = vector.broadcast %jit3A_943 : f32 to vector<16xf32>
    %select_n3A_945 = arith.select %eq3A_942, %get3A_937, %broadcast_in_dim3A_944 : vector<16xi1>, vector<16xf32>
    %add3A_946 = arith.addf %add3A_930, %select_n3A_945 : vector<16xf32>
    %slice3A_947 = vector.extract_strided_slice %get3A_809 {offsets = [8], sizes = [1], strides = [1]} : vector<16xi32> to vector<1xi32>
    %squeeze3A_948 = vector.extract %slice3A_947[0] : i32 from vector<1xi32>
    %ne3A_949 = arith.constant 0 : i32
    %ne3A_950 = arith.cmpi ne, %squeeze3A_948, %ne3A_949 : i32
    %get3A_951 = arith.constant 7168 : index
    %get3A_952 = tpu.vector_load %arg5[%get3A_951] {strides = array<i32>} : memref<8192xf32, #tpu.memory_space<vmem>>, vector<16xf32>,
    %get3A_953 = vector.shape_cast %get3A_952 : vector<16xf32> to vector<16xf32>
    %jit3A_954 = arith.constant 0 : i32
    %jit3A_955 = arith.constant -1 : i32
    %select_n3A_956 = arith.select %ne3A_950, %jit3A_954, %jit3A_955 : i32
    %broadcast_in_dim3A_957 = vector.broadcast %select_n3A_956 : i32 to vector<16xi32>
    %eq3A_958 = arith.cmpi eq, %iota3A, %broadcast_in_dim3A_957 : vector<16xi32>
    %jit3A_959 = arith.constant 0.000000e+00 : f32
    %broadcast_in_dim3A_960 = vector.broadcast %jit3A_959 : f32 to vector<16xf32>
    %select_n3A_961 = arith.select %eq3A_958, %get3A_953, %broadcast_in_dim3A_960 : vector<16xi1>, vector<16xf32>
    %add3A_962 = arith.addf %add3A_946, %select_n3A_961 : vector<16xf32>
    %slice3A_963 = vector.extract_strided_slice %get3A_809 {offsets = [9], sizes = [1], strides = [1]} : vector<16xi32> to vector<1xi32>
    %squeeze3A_964 = vector.extract %slice3A_963[0] : i32 from vector<1xi32>
    %ne3A_965 = arith.constant 0 : i32
    %ne3A_966 = arith.cmpi ne, %squeeze3A_964, %ne3A_965 : i32
    %get3A_967 = arith.constant 7296 : index
    %get3A_968 = tpu.vector_load %arg5[%get3A_967] {strides = array<i32>} : memref<8192xf32, #tpu.memory_space<vmem>>, vector<16xf32>,
    %get3A_969 = vector.shape_cast %get3A_968 : vector<16xf32> to vector<16xf32>
    %jit3A_970 = arith.constant 0 : i32
    %jit3A_971 = arith.constant -1 : i32
    %select_n3A_972 = arith.select %ne3A_966, %jit3A_970, %jit3A_971 : i32
    %broadcast_in_dim3A_973 = vector.broadcast %select_n3A_972 : i32 to vector<16xi32>
    %eq3A_974 = arith.cmpi eq, %iota3A, %broadcast_in_dim3A_973 : vector<16xi32>
    %jit3A_975 = arith.constant 0.000000e+00 : f32
    %broadcast_in_dim3A_976 = vector.broadcast %jit3A_975 : f32 to vector<16xf32>
    %select_n3A_977 = arith.select %eq3A_974, %get3A_969, %broadcast_in_dim3A_976 : vector<16xi1>, vector<16xf32>
    %add3A_978 = arith.addf %add3A_962, %select_n3A_977 : vector<16xf32>
    %slice3A_979 = vector.extract_strided_slice %get3A_809 {offsets = [10], sizes = [1], strides = [1]} : vector<16xi32> to vector<1xi32>
    %squeeze3A_980 = vector.extract %slice3A_979[0] : i32 from vector<1xi32>
    %ne3A_981 = arith.constant 0 : i32
    %ne3A_982 = arith.cmpi ne, %squeeze3A_980, %ne3A_981 : i32
    %get3A_983 = arith.constant 7424 : index
    %get3A_984 = tpu.vector_load %arg5[%get3A_983] {strides = array<i32>} : memref<8192xf32, #tpu.memory_space<vmem>>, vector<16xf32>,
    %get3A_985 = vector.shape_cast %get3A_984 : vector<16xf32> to vector<16xf32>
    %jit3A_986 = arith.constant 0 : i32
    %jit3A_987 = arith.constant -1 : i32
    %select_n3A_988 = arith.select %ne3A_982, %jit3A_986, %jit3A_987 : i32
    %broadcast_in_dim3A_989 = vector.broadcast %select_n3A_988 : i32 to vector<16xi32>
    %eq3A_990 = arith.cmpi eq, %iota3A, %broadcast_in_dim3A_989 : vector<16xi32>
    %jit3A_991 = arith.constant 0.000000e+00 : f32
    %broadcast_in_dim3A_992 = vector.broadcast %jit3A_991 : f32 to vector<16xf32>
    %select_n3A_993 = arith.select %eq3A_990, %get3A_985, %broadcast_in_dim3A_992 : vector<16xi1>, vector<16xf32>
    %add3A_994 = arith.addf %add3A_978, %select_n3A_993 : vector<16xf32>
    %slice3A_995 = vector.extract_strided_slice %get3A_809 {offsets = [11], sizes = [1], strides = [1]} : vector<16xi32> to vector<1xi32>
    %squeeze3A_996 = vector.extract %slice3A_995[0] : i32 from vector<1xi32>
    %ne3A_997 = arith.constant 0 : i32
    %ne3A_998 = arith.cmpi ne, %squeeze3A_996, %ne3A_997 : i32
    %get3A_999 = arith.constant 7552 : index
    %get3A_1000 = tpu.vector_load %arg5[%get3A_999] {strides = array<i32>} : memref<8192xf32, #tpu.memory_space<vmem>>, vector<16xf32>,
    %get3A_1001 = vector.shape_cast %get3A_1000 : vector<16xf32> to vector<16xf32>
    %jit3A_1002 = arith.constant 0 : i32
    %jit3A_1003 = arith.constant -1 : i32
    %select_n3A_1004 = arith.select %ne3A_998, %jit3A_1002, %jit3A_1003 : i32
    %broadcast_in_dim3A_1005 = vector.broadcast %select_n3A_1004 : i32 to vector<16xi32>
    %eq3A_1006 = arith.cmpi eq, %iota3A, %broadcast_in_dim3A_1005 : vector<16xi32>
    %jit3A_1007 = arith.constant 0.000000e+00 : f32
    %broadcast_in_dim3A_1008 = vector.broadcast %jit3A_1007 : f32 to vector<16xf32>
    %select_n3A_1009 = arith.select %eq3A_1006, %get3A_1001, %broadcast_in_dim3A_1008 : vector<16xi1>, vector<16xf32>
    %add3A_1010 = arith.addf %add3A_994, %select_n3A_1009 : vector<16xf32>
    %slice3A_1011 = vector.extract_strided_slice %get3A_809 {offsets = [12], sizes = [1], strides = [1]} : vector<16xi32> to vector<1xi32>
    %squeeze3A_1012 = vector.extract %slice3A_1011[0] : i32 from vector<1xi32>
    %ne3A_1013 = arith.constant 0 : i32
    %ne3A_1014 = arith.cmpi ne, %squeeze3A_1012, %ne3A_1013 : i32
    %get3A_1015 = arith.constant 7680 : index
    %get3A_1016 = tpu.vector_load %arg5[%get3A_1015] {strides = array<i32>} : memref<8192xf32, #tpu.memory_space<vmem>>, vector<16xf32>,
    %get3A_1017 = vector.shape_cast %get3A_1016 : vector<16xf32> to vector<16xf32>
    %jit3A_1018 = arith.constant 0 : i32
    %jit3A_1019 = arith.constant -1 : i32
    %select_n3A_1020 = arith.select %ne3A_1014, %jit3A_1018, %jit3A_1019 : i32
    %broadcast_in_dim3A_1021 = vector.broadcast %select_n3A_1020 : i32 to vector<16xi32>
    %eq3A_1022 = arith.cmpi eq, %iota3A, %broadcast_in_dim3A_1021 : vector<16xi32>
    %jit3A_1023 = arith.constant 0.000000e+00 : f32
    %broadcast_in_dim3A_1024 = vector.broadcast %jit3A_1023 : f32 to vector<16xf32>
    %select_n3A_1025 = arith.select %eq3A_1022, %get3A_1017, %broadcast_in_dim3A_1024 : vector<16xi1>, vector<16xf32>
    %add3A_1026 = arith.addf %add3A_1010, %select_n3A_1025 : vector<16xf32>
    %slice3A_1027 = vector.extract_strided_slice %get3A_809 {offsets = [13], sizes = [1], strides = [1]} : vector<16xi32> to vector<1xi32>
    %squeeze3A_1028 = vector.extract %slice3A_1027[0] : i32 from vector<1xi32>
    %ne3A_1029 = arith.constant 0 : i32
    %ne3A_1030 = arith.cmpi ne, %squeeze3A_1028, %ne3A_1029 : i32
    %get3A_1031 = arith.constant 7808 : index
    %get3A_1032 = tpu.vector_load %arg5[%get3A_1031] {strides = array<i32>} : memref<8192xf32, #tpu.memory_space<vmem>>, vector<16xf32>,
    %get3A_1033 = vector.shape_cast %get3A_1032 : vector<16xf32> to vector<16xf32>
    %jit3A_1034 = arith.constant 0 : i32
    %jit3A_1035 = arith.constant -1 : i32
    %select_n3A_1036 = arith.select %ne3A_1030, %jit3A_1034, %jit3A_1035 : i32
    %broadcast_in_dim3A_1037 = vector.broadcast %select_n3A_1036 : i32 to vector<16xi32>
    %eq3A_1038 = arith.cmpi eq, %iota3A, %broadcast_in_dim3A_1037 : vector<16xi32>
    %jit3A_1039 = arith.constant 0.000000e+00 : f32
    %broadcast_in_dim3A_1040 = vector.broadcast %jit3A_1039 : f32 to vector<16xf32>
    %select_n3A_1041 = arith.select %eq3A_1038, %get3A_1033, %broadcast_in_dim3A_1040 : vector<16xi1>, vector<16xf32>
    %add3A_1042 = arith.addf %add3A_1026, %select_n3A_1041 : vector<16xf32>
    %slice3A_1043 = vector.extract_strided_slice %get3A_809 {offsets = [14], sizes = [1], strides = [1]} : vector<16xi32> to vector<1xi32>
    %squeeze3A_1044 = vector.extract %slice3A_1043[0] : i32 from vector<1xi32>
    %ne3A_1045 = arith.constant 0 : i32
    %ne3A_1046 = arith.cmpi ne, %squeeze3A_1044, %ne3A_1045 : i32
    %get3A_1047 = arith.constant 7936 : index
    %get3A_1048 = tpu.vector_load %arg5[%get3A_1047] {strides = array<i32>} : memref<8192xf32, #tpu.memory_space<vmem>>, vector<16xf32>,
    %get3A_1049 = vector.shape_cast %get3A_1048 : vector<16xf32> to vector<16xf32>
    %jit3A_1050 = arith.constant 0 : i32
    %jit3A_1051 = arith.constant -1 : i32
    %select_n3A_1052 = arith.select %ne3A_1046, %jit3A_1050, %jit3A_1051 : i32
    %broadcast_in_dim3A_1053 = vector.broadcast %select_n3A_1052 : i32 to vector<16xi32>
    %eq3A_1054 = arith.cmpi eq, %iota3A, %broadcast_in_dim3A_1053 : vector<16xi32>
    %jit3A_1055 = arith.constant 0.000000e+00 : f32
    %broadcast_in_dim3A_1056 = vector.broadcast %jit3A_1055 : f32 to vector<16xf32>
    %select_n3A_1057 = arith.select %eq3A_1054, %get3A_1049, %broadcast_in_dim3A_1056 : vector<16xi1>, vector<16xf32>
    %add3A_1058 = arith.addf %add3A_1042, %select_n3A_1057 : vector<16xf32>
    %slice3A_1059 = vector.extract_strided_slice %get3A_809 {offsets = [15], sizes = [1], strides = [1]} : vector<16xi32> to vector<1xi32>
    %squeeze3A_1060 = vector.extract %slice3A_1059[0] : i32 from vector<1xi32>
    %ne3A_1061 = arith.constant 0 : i32
    %ne3A_1062 = arith.cmpi ne, %squeeze3A_1060, %ne3A_1061 : i32
    %get3A_1063 = arith.constant 8064 : index
    %get3A_1064 = tpu.vector_load %arg5[%get3A_1063] {strides = array<i32>} : memref<8192xf32, #tpu.memory_space<vmem>>, vector<16xf32>,
    %get3A_1065 = vector.shape_cast %get3A_1064 : vector<16xf32> to vector<16xf32>
    %jit3A_1066 = arith.constant 0 : i32
    %jit3A_1067 = arith.constant -1 : i32
    %select_n3A_1068 = arith.select %ne3A_1062, %jit3A_1066, %jit3A_1067 : i32
    %broadcast_in_dim3A_1069 = vector.broadcast %select_n3A_1068 : i32 to vector<16xi32>
    %eq3A_1070 = arith.cmpi eq, %iota3A, %broadcast_in_dim3A_1069 : vector<16xi32>
    %jit3A_1071 = arith.constant 0.000000e+00 : f32
    %broadcast_in_dim3A_1072 = vector.broadcast %jit3A_1071 : f32 to vector<16xf32>
    %select_n3A_1073 = arith.select %eq3A_1070, %get3A_1065, %broadcast_in_dim3A_1072 : vector<16xi1>, vector<16xf32>
    %add3A_1074 = arith.addf %add3A_1058, %select_n3A_1073 : vector<16xf32>
    %mul3A_1075 = arith.constant 1.000020e-06 : f32
    %mul3A_1076 = vector.broadcast %mul3A_1075 : f32 to vector<16xf32>
    %mul3A_1077 = arith.mulf %mul3A_1076, %add3A_1074 : vector<16xf32>
    %mul3A_1078 = arith.constant -1.47637355 : f32
    %mul3A_1079 = vector.broadcast %mul3A_1078 : f32 to vector<16xf32>
    %mul3A_1080 = arith.mulf %mul3A_1079, %add3A_818 : vector<16xf32>
    %add3A_1081 = arith.addf %mul3A_1077, %mul3A_1080 : vector<16xf32>
    %swap3A = arith.constant 0 : index
    %swap3A_1082 = tpu.vector_load %arg7[%swap3A] {strides = array<i32>} : memref<16xf32, #tpu.memory_space<vmem>>, vector<16xf32>,
    %swap3A_1083 = vector.shape_cast %swap3A_1082 : vector<16xf32> to vector<16xf32>
    %swap3A_1084 = vector.shape_cast %add3A_1081 : vector<16xf32> to vector<16xf32>
    tpu.vector_store %arg7[%swap3A], %swap3A_1084 {strides = array<i32>} : memref<16xf32, #tpu.memory_space<vmem>>, vector<16xf32>,
    "tpu.region"() ({
      %run_scoped3A = tpu.sem_alloc : memref<!tpu.dma_semaphore, #tpu.memory_space<semaphore_mem>>
      %dma_start3A = arith.constant 0 : i32
      %dma_start3A_1085 = tpu.memref_slice %arg4[%add3A, %dma_start3A] : memref<32x16xf32, #tpu.memory_space<hbm>> -> memref<1x16xf32, #tpu.memory_space<hbm>>
      %dma_start3A_1086 = tpu.memref_squeeze %dma_start3A_1085 : memref<1x16xf32, #tpu.memory_space<hbm>> -> memref<16xf32, #tpu.memory_space<hbm>>
      %dma_start3A_1087 = arith.constant 0 : i32
      %dma_start3A_1088 = tpu.memref_slice %arg4[%add3A, %dma_start3A_1087] : memref<32x16xf32, #tpu.memory_space<hbm>> -> memref<1x16xf32, #tpu.memory_space<hbm>>
      %dma_start3A_1089 = tpu.memref_squeeze %dma_start3A_1088 : memref<1x16xf32, #tpu.memory_space<hbm>> -> memref<16xf32, #tpu.memory_space<hbm>>
      tpu.enqueue_dma source(%arg7 : memref<16xf32, #tpu.memory_space<vmem>>) target(%dma_start3A_1089 : memref<16xf32, #tpu.memory_space<hbm>>) target_semaphore(%run_scoped3A : memref<!tpu.dma_semaphore, #tpu.memory_space<semaphore_mem>>)
      %dma_wait3A = arith.constant 0 : i32
      %dma_wait3A_1090 = tpu.memref_slice %arg4[%add3A, %dma_wait3A] : memref<32x16xf32, #tpu.memory_space<hbm>> -> memref<1x16xf32, #tpu.memory_space<hbm>>
      %dma_wait3A_1091 = tpu.memref_squeeze %dma_wait3A_1090 : memref<1x16xf32, #tpu.memory_space<hbm>> -> memref<16xf32, #tpu.memory_space<hbm>>
      %dma_wait3A_1092 = arith.constant 0 : i32
      %dma_wait3A_1093 = tpu.memref_slice %arg4[%add3A, %dma_wait3A_1092] : memref<32x16xf32, #tpu.memory_space<hbm>> -> memref<1x16xf32, #tpu.memory_space<hbm>>
      %dma_wait3A_1094 = tpu.memref_squeeze %dma_wait3A_1093 : memref<1x16xf32, #tpu.memory_space<hbm>> -> memref<16xf32, #tpu.memory_space<hbm>>
      tpu.wait_dma2 semaphore(%run_scoped3A : memref<!tpu.dma_semaphore, #tpu.memory_space<semaphore_mem>>) src(%arg7 : memref<16xf32, #tpu.memory_space<vmem>>) dst(%dma_wait3A_1094 : memref<16xf32, #tpu.memory_space<hbm>>)
      tpu.yield
    }) : () -> ()
    return
  }
}

module attributes {stable_mosaic.version = 14 : i64} {
  func.func @_tc_main_body(%arg0: i32, %arg1: memref<16x100000xf32, #tpu.memory_space<vmem>>, %arg2: memref<1x1x16xi32, #tpu.memory_space<vmem>>, %arg3: memref<1x1xf32, #tpu.memory_space<smem>>) attributes {dimension_semantics = [#tpu.dimension_semantics<arbitrary>], iteration_bounds = array<i64: 128>, scalar_prefetch = 0 : i64, scratch_operands = 0 : i64, tpu.core_type = #tpu.core_type<tc>, window_params = [{transform_indices = @transform_0, window_bounds = array<i64: 16, 100000>}, {transform_indices = @transform_1, window_bounds = array<i64: 1, 1, 16>}, {transform_indices = @transform_2, window_bounds = array<i64: 1, 1>}]} {
    %get3A = arith.constant 0 : index
    %get3A_0 = arith.constant 0 : index
    %get3A_1 = vector.load %arg1[%get3A, %get3A_0] : memref<16x100000xf32, #tpu.memory_space<vmem>>, vector<16x100000xf32>
    %get3A_2 = arith.constant 0 : index
    %get3A_3 = arith.constant 0 : index
    %get3A_4 = arith.constant 0 : index
    %get3A_5 = vector.load %arg2[%get3A_2, %get3A_3, %get3A_4] : memref<1x1x16xi32, #tpu.memory_space<vmem>>, vector<1x1x16xi32>
    %get3A_6 = vector.shape_cast %get3A_5 : vector<1x1x16xi32> to vector<16xi32>
    %reduce_sum3A = arith.constant dense<0.000000e+00> : vector<16xf32>
    %reduce_sum3A_7 = vector.multi_reduction <add>, %get3A_1, %reduce_sum3A [1] : vector<16x100000xf32> to vector<16xf32>
    %iota3A = tpu.iota {dimensions = array<i32: 1>} : vector<16x100000xi32>
    %broadcast_in_dim3A = vector.shape_cast %get3A_6 : vector<16xi32> to vector<16x1xi32>
    %eq3A = vector.broadcast %broadcast_in_dim3A : vector<16x1xi32> to vector<16x100000xi32>
    %eq3A_8 = arith.cmpi eq, %iota3A, %eq3A : vector<16x100000xi32>
    %jit3A = arith.constant 0.000000e+00 : f32
    %broadcast_in_dim3A_9 = vector.broadcast %jit3A : f32 to vector<16x100000xf32>
    %select_n3A = arith.select %eq3A_8, %get3A_1, %broadcast_in_dim3A_9 : vector<16x100000xi1>, vector<16x100000xf32>
    %reduce_sum3A_10 = arith.constant dense<0.000000e+00> : vector<16xf32>
    %reduce_sum3A_11 = vector.multi_reduction <add>, %select_n3A, %reduce_sum3A_10 [1] : vector<16x100000xf32> to vector<16xf32>
    %ne3A = arith.constant 0 : i32
    %ne3A_12 = vector.broadcast %ne3A : i32 to vector<16xi32>
    %ne3A_13 = arith.cmpi ne, %get3A_6, %ne3A_12 : vector<16xi32>
    %mul3A = arith.constant -1.000020e-06 : f32
    %mul3A_14 = vector.broadcast %mul3A : f32 to vector<16xf32>
    %mul3A_15 = arith.mulf %mul3A_14, %reduce_sum3A_7 : vector<16xf32>
    %mul3A_16 = arith.constant 8.999990e-01 : f32
    %mul3A_17 = vector.broadcast %mul3A_16 : f32 to vector<16xf32>
    %mul3A_18 = arith.mulf %mul3A_17, %reduce_sum3A_11 : vector<16xf32>
    %sub3A = arith.subf %mul3A_15, %mul3A_18 : vector<16xf32>
    %jit3A_19 = arith.constant 0.000000e+00 : f32
    %broadcast_in_dim3A_20 = vector.broadcast %jit3A_19 : f32 to vector<16xf32>
    %select_n3A_21 = arith.select %ne3A_13, %sub3A, %broadcast_in_dim3A_20 : vector<16xi1>, vector<16xf32>
    %reduce_sum3A_22 = vector.shape_cast %select_n3A_21 : vector<16xf32> to vector<1x16xf32>
    %reduce_sum3A_23 = arith.constant dense<0.000000e+00> : vector<1xf32>
    %reduce_sum3A_24 = vector.multi_reduction <add>, %reduce_sum3A_22, %reduce_sum3A_23 [1] : vector<1x16xf32> to vector<1xf32>
    %reduce_sum3A_25 = vector.shape_cast %reduce_sum3A_24 : vector<1xf32> to vector<1x1xf32>
    %reduce_sum3A_26 = vector.extract %reduce_sum3A_25[0, 0] : f32 from vector<1x1xf32>
    %eq3A_27 = arith.constant 0 : i32
    %eq3A_28 = arith.cmpi eq, %arg0, %eq3A_27 : i32
    %convert_element_type3A = arith.extui %eq3A_28 : i1 to i32
    %cond3A = arith.constant 0 : i32
    %cond3A_29 = arith.cmpi ne, %convert_element_type3A, %cond3A : i32
    scf.if %cond3A_29 {
      %swap3A_35 = arith.constant 0.000000e+00 : f32
      %swap3A_36 = arith.constant 0 : index
      %swap3A_37 = arith.constant 0 : index
      %swap3A_38 = memref.load %arg3[%swap3A_36, %swap3A_37] : memref<1x1xf32, #tpu.memory_space<smem>>
      memref.store %swap3A_35, %arg3[%swap3A_36, %swap3A_37] : memref<1x1xf32, #tpu.memory_space<smem>>
    } else {
    }
    %get3A_30 = arith.constant 0 : index
    %get3A_31 = arith.constant 0 : index
    %get3A_32 = memref.load %arg3[%get3A_30, %get3A_31] : memref<1x1xf32, #tpu.memory_space<smem>>
    %add3A = arith.addf %get3A_32, %reduce_sum3A_26 : f32
    %swap3A = arith.constant 0 : index
    %swap3A_33 = arith.constant 0 : index
    %swap3A_34 = memref.load %arg3[%swap3A, %swap3A_33] : memref<1x1xf32, #tpu.memory_space<smem>>
    memref.store %add3A, %arg3[%swap3A, %swap3A_33] : memref<1x1xf32, #tpu.memory_space<smem>>
    return
  }
  func.func @transform_0(%arg0: i32) -> (i32, i32) {
    %c0_i32 = arith.constant 0 : i32
    %c0_i32_0 = arith.constant 0 : i32
    return %arg0, %c0_i32 : i32, i32
  }
  func.func @transform_1(%arg0: i32) -> (i32, i32, i32) {
    %c0_i32 = arith.constant 0 : i32
    %c0_i32_0 = arith.constant 0 : i32
    %c0_i32_1 = arith.constant 0 : i32
    return %arg0, %c0_i32, %c0_i32_0 : i32, i32, i32
  }
  func.func @transform_2(%arg0: i32) -> (i32, i32) {
    %c0_i32 = arith.constant 0 : i32
    %c0_i32_0 = arith.constant 0 : i32
    %c0_i32_1 = arith.constant 0 : i32
    return %c0_i32, %c0_i32_0 : i32, i32
  }
}

</mosaic_0001>

<sc_bundles>
// kernel: kernel.4.cloned.1.call-start
scs
__scs_entry_jumppad:
0x0: {  	(pc) =	sbr.rel $0x88, $3  }
0x1: {  	(tag) =	ssettag $0x0;
	lr =	simm.s32 $0x1  }
0x2: {  	[smem:$0x3F9F] =	sst lr;
	_ =	strace $0xD0000000  }
0x3: {  	_ = 	snop  }
0x4: {  	_ = 	snop  }
0x5: {  	_ = 	snop  }
0x6: {  	_ = 	snop  }
0x7: {  	_ = 	snop  }
__scs_overlays_trampoline_lowered:
0x8: {  	[smem:$0x3FAE] =	sst s0  }
0x9: {  	[smem:$0x3FAF] =	sst s1  }
0xa: {  	[smem:$0x3FB0] =	sst s2  }
0xb: {  	[smem:$0x3FB1] =	sst s3  }
0xc: {  	[smem:$0x3FB2] =	sst s4  }
0xd: {  	[smem:$0x3FB3] =	sst s5  }
0xe: {  	[smem:$0x3FB4] =	sst s6  }
0xf: {  	[smem:$0x3FB5] =	sst s7  }
0x10: {  	[smem:$0x3FB6] =	sst s8  }
0x11: {  	[smem:$0x3FB7] =	sst s9;
	s0 =	simm.s32 @!p0 $0x0  }
0x12: {  	s1 =	sld [smem:$0x3F9D];
	s0 =	simm.s32 @p0 $0x1  }
0x13: {  	[smem:$0x3FB8] =	sst s0;
	s0 =	simm.s32 @!p1 $0x0  }
0x14: {  	s2 =	sld [smem:$0x3F9C];
	s0 =	simm.s32 @p1 $0x1  }
0x15: {  	[smem:$0x3FB9] =	sst s0;
	s0 =	simm.s32 @!p2 $0x0  }
0x16: {  	s3 =	sld [smem:$0x3FDB];
	s0 =	simm.s32 @p2 $0x1  }
0x17: {  	s4 =	simm.s32 $0x1BF5;
	[smem:$0x3FBB] =	sst s0  }
0x18: {  	s0 =	sld [smem:$0x3F9E];
	_ =	swait.ge [sflag:s4], $0x0  }
0x19: {  	s7 =	sld [smem:$0x3F9F]  }
0x1a: {  	s8 =	sadd.s32 $0xFFFFE003, lr  }
0x1b: {  	s9 =	sadd.s32 $0xFFFFFEF7, lr;
	s5 =	simm.s32 $0xFFFFFFFF;
	p2 =	slt.u32 s8, $0xFFFFF086  }
0x1c: {  	p1 =	slt.u32 s9, $0xF7A;
	s5 =	simm.s32 @!p2 $0x0  }
0x1d: {  	s5 =	simm.s32 @p1 $0x1;
	p0 =	seq.s32 s7, s2  }
0x1e: {  	s7 =	smul.u32 @!p0 $0xF7A, s2;
	p2 =	seq.s32 @!p0 s5, $0x0  }
0x1f: {  	s9 =	smul.u32 $0xF7A, s1;
	s8 =	simm.s32 @!p0 $0x1BF5;
	p2 =	por !p2, p0  }
0x20: {  	[sflag:s8] =	ssyncset.s32 @!p0 $0xFFFFF086;
	s6 =	sadd.s32 @!p0 s3, s7;
	s7 =	simm.s32 @!p0 $0x108  }
0x21: {  	s3 =	sadd.s32 s3, s9;
	s6 =	sadd.s32 @!p0 $0x88, s6;
	s7 =	simm.s32 @p2 $0x1082  }
0x22: {  	[simem:s7], [sflag:s8] =	dma.local @!p0 [hbm:s6], $0xF7A  }
0x23: {  	s9 =	sor.u32 $0xD0000000, s2;
	s6 =	simm.s32 $0x108;
	_ =	swait.ge @!p0 [sflag:s8], $0x0  }
0x24: {  	s3 =	sadd.s32 $0x88, s3;
	s6 =	simm.s32 @!p1 $0x1082;
	[sflag:s4] =	ssyncset.s32 $0xFFFFF086  }
0x25: {  	[simem:s6], [sflag:s4] =	dma.local [hbm:s3], $0xF7A  }
0x26: {  	[smem:$0x3F9F] =	sst s1;
	(tag) =	ssettag s2;
	_ =	strace s9  }
0x27: {  	s1 =	sld [smem:$0x3FAF]  }
0x28: {  	s2 =	sld [smem:$0x3FB0]  }
0x29: {  	s4 =	sld [smem:$0x3FB2]  }
0x2a: {  	p0 =	seq.s32 s5, $0x0;
	s5 =	sld [smem:$0x3FB3]  }
0x2b: {  	s6 =	sld [smem:$0x3FB4]  }
0x2c: {  	s7 =	sld [smem:$0x3FB5]  }
0x2d: {  	s3 =	simm.s32 $0x108;
	s8 =	sld [smem:$0x3FB6]  }
0x2e: {  	s3 =	simm.s32 @!p0 $0x1082;
	s9 =	sld [smem:$0x3FB7]  }
0x2f: {  	lr =	sadd.s32 s0, s3;
	s0 =	sld [smem:$0x3FAE]  }
0x30: {  	s3 =	sld [smem:$0x3FB1]  }
0x31: {  	[smem:$0x3FBA] =	sst s10  }
0x32: {  	s10 =	sld [smem:$0x3FB8];
	_ =	sdelay $0x3  }
0x33: {  	p0 =	seq.s32 s10, $0x1;
	s10 =	sld [smem:$0x3FBA];
	_ =	sdelay $0x3  }
0x34: {  	[smem:$0x3FBA] =	sst s10  }
0x35: {  	s10 =	sld [smem:$0x3FB9];
	_ =	sdelay $0x3  }
0x36: {  	p1 =	seq.s32 s10, $0x1;
	s10 =	sld [smem:$0x3FBA];
	_ =	sdelay $0x3  }
0x37: {  	[smem:$0x3FBA] =	sst s10  }
0x38: {  	s10 =	sld [smem:$0x3FBB]  }
0x39: {  	_ = 	snop;
	(pc) =	sbr.ind lr, $3  }
0x3a: {  	_ = 	snop  }
0x3b: {  	_ = 	snop  }
0x3c: {  	p2 =	seq.s32 s10, $0x1;
	s10 =	sld [smem:$0x3FBA]  }
0x3d: {  	_ =	shalt  }
0x3e: {  	_ =	shalt  }
0x3f: {  	_ =	shalt  }
0x40: {  	_ =	shalt  }
0x41: {  	_ =	shalt  }
0x42: {  	_ =	shalt  }
0x43: {  	_ =	shalt  }
0x44: {  	_ =	shalt  }
0x45: {  	_ =	shalt  }
0x46: {  	_ =	shalt  }
0x47: {  	_ =	shalt  }
0x48: {  	_ =	shalt  }
0x49: {  	_ =	shalt  }
0x4a: {  	_ =	shalt  }
0x4b: {  	_ =	shalt  }
0x4c: {  	_ =	shalt  }
0x4d: {  	_ =	shalt  }
0x4e: {  	_ =	shalt  }
0x4f: {  	_ =	shalt  }
0x50: {  	_ =	shalt  }
0x51: {  	_ =	shalt  }
0x52: {  	_ =	shalt  }
0x53: {  	_ =	shalt  }
0x54: {  	_ =	shalt  }
0x55: {  	_ =	shalt  }
0x56: {  	_ =	shalt  }
0x57: {  	_ =	shalt  }
0x58: {  	_ =	shalt  }
0x59: {  	_ =	shalt  }
0x5a: {  	_ =	shalt  }
0x5b: {  	_ =	shalt  }
0x5c: {  	_ =	shalt  }
0x5d: {  	_ =	shalt  }
0x5e: {  	_ =	shalt  }
0x5f: {  	_ =	shalt  }
0x60: {  	_ =	shalt  }
0x61: {  	_ =	shalt  }
0x62: {  	_ =	shalt  }
0x63: {  	_ =	shalt  }
0x64: {  	_ =	shalt  }
0x65: {  	_ =	shalt  }
0x66: {  	_ =	shalt  }
0x67: {  	_ =	shalt  }
0x68: {  	_ =	shalt  }
0x69: {  	_ =	shalt  }
0x6a: {  	_ =	shalt  }
0x6b: {  	_ =	shalt  }
0x6c: {  	_ =	shalt  }
0x6d: {  	_ =	shalt  }
0x6e: {  	_ =	shalt  }
0x6f: {  	_ =	shalt  }
0x70: {  	_ =	shalt  }
0x71: {  	_ =	shalt  }
0x72: {  	_ =	shalt  }
0x73: {  	_ =	shalt  }
0x74: {  	_ =	shalt  }
0x75: {  	_ =	shalt  }
0x76: {  	_ =	shalt  }
0x77: {  	_ =	shalt  }
0x78: {  	_ =	shalt  }
0x79: {  	_ =	shalt  }
0x7a: {  	_ =	shalt  }
0x7b: {  	_ =	shalt  }
0x7c: {  	_ =	shalt  }
0x7d: {  	_ =	shalt  }
0x7e: {  	_ =	shalt  }
0x7f: {  	_ =	shalt  }
0x80: {  	_ =	shalt  }
0x81: {  	_ =	shalt  }
0x82: {  	_ =	shalt  }
0x83: {  	_ =	shalt  }
0x84: {  	_ =	shalt  }
0x85: {  	_ =	shalt  }
0x86: {  	_ =	shalt  }
0x87: {  	_ =	shalt  }
.Lfunc_end0:
.L_simem_size_0:
called_computation_lowered:
.L_overlay_start_0:
0x88: {  	s2 =	sld [smem:$0x3FD9]  }
0x89: {  	s3 =	sld [smem:$0x3FFE];
	_ =	sdelay $0x1  }
0x8a: {  	s1 =	srdreg.scid  }
0x8b: {  	s0 =	sand.u32 $0x1, s1  }
0x8c: {  	s17 =	sshll.u32 s0, $0xA;
	s2 =	sadd.s32 s3, s2  }
0x8d: {  	s2 =	sadd.s32 s2, s17  }
0x8e: {  	[smem:$0x3FC6] =	sst s2  }
0x8f: {  	_ = 	snop  }
0x90: {  	s2 =	sld [smem:$0x3FC8];
	(tm) =	ssettm $0x1  }
0x91: {  	s18 =	sld [smem:$0x3FFB];
	_ =	sdelay $0x3  }
0x92: {  	_ =	strace s18  }
0x93: {  	s3 =	sld [smem:$0x3FFC];
	_ =	sdelay $0x3  }
0x94: {  	_ =	strace s3  }
0x95: {  	s3 =	sld [smem:$0x3FFD];
	_ =	sdelay $0x3  }
0x96: {  	_ =	strace s3  }
0x97: {  	_ =	strace $0x8FFFFFFF  }
0x98: {  	s19 =	sld [smem:$0x3FDB];
	_ =	sdelay $0x1  }
0x99: {  	s4 =	simm.s32 $_scs_section_size  }
0x9a: {  	s5 =	simm.s32 $_size__tile_overlayer_lowered;
	s6 =	simm.s32 $_tile_overlayer_lowered  }
0x9b: {  	s22 =	simm.s32 $0x1BFF;
	s21 =	sshll.u32 s6, $0x1;
	s3 =	sadd.s32 s4, s19  }
0x9c: {  	s7 =	simm.s32 $0x0;
	s20 =	sshll.u32 s5, $0x1;
	s5 =	sadd.s32 s21, s3  }
0x9d: {  	[timem:s7], [sflag:s22] =	dma.local [hbm:s5], s20  }
0x9e: {  	_ =	swait.ge [sflag:s22], s20  }
0x9f: {  	s4 =	ssub.s32 $0x0, s20;
	[sflag:s22] =	ssyncset.done $0x0  }
0xa0: {  	[sflag:s22] =	ssyncadd.s32 s4;
	_ =	sdelay $0x1  }
0xa1: {  	s23 =	simm.s32 $0x1B8B  }
0xa2: {  	_ =	swait.ge [sflag:s23], $0x1  }
0xa3: {  	[sflag:s23] =	ssyncset.done $0x0  }
0xa4: {  	s25 =	simm.s32 $0x1B8E;
	s24 =	sld [smem:$0x3FFE];
	[sflag:s23] =	ssyncadd.s32 $0xFFFFFFFF  }
0xa5: {  	s26 =	simm.s32 $execute0_lowered;
	[smem:$0x3FD2] =	sst s25  }
0xa6: {  	s5 =	sshll.u32 s26, $0x1;
	_ =	strace $0x80000046;
	[dreg:$0x1] =	wrdreg $0xFFFFFFFF  }
0xa7: {  	s28 =	simm.s32 $_size_execute0_lowered;
	s3 =	sadd.s32 s3, s5;
	[dreg:$0x0] =	wrdreg $0x0  }
0xa8: {  	s5 =	sshll.u32 s28, $0x1;
	[dreg:$0x2] =	wrdreg s3  }
0xa9: {  	[dreg:$0x3] =	wrdreg s5  }
0xaa: {  	[dreg:$0x4] =	wrdreg $0xC0  }
0xab: {  	_ =	task [dreg:s7], $0x5FFFF  }
0xac: {  	[dreg:$0x1] =	wrdreg $0xFFFFFFFF  }
0xad: {  	[dreg:$0x0] =	wrdreg $0x60  }
0xae: {  	[dreg:$0x2] =	wrdreg s24  }
0xaf: {  	[dreg:$0x3] =	wrdreg s2  }
0xb0: {  	[dreg:$0x4] =	wrdreg $0x9  }
0xb1: {  	_ =	task.clear_ibuf [dreg:s7], $0x5FFFF;
	_ =	strace $0x90000046  }
0xb2: {  	s29 =	simm.s32 $0x9;
	_ =	strace $0x80000048  }
0xb3: {  	_ =	swait.ge [sflag:s29], $0x1  }
0xb4: {  	[sflag:s29] =	ssyncadd.s32 $0xFFFFFFFF  }
0xb5: {  	_ =	strace $0x90000048  }
0xb6: {  	_ =	sfence  }
0xb7: {  	s30 =	sld [smem:$0x0];
	_ =	sdelay $0x2  }
0xb8: {  	s31 =	sshll.u32 s1, $0xD;
	s1 =	sshrl.u32 s1, $0x2  }
0xb9: {  	s3 =	sand.u32 $0x4000, s31;
	s1 =	sadd.s32 s1, s30  }
0xba: {  	s0 =	sor.u32 s3, s0;
	s1 =	sshll.u32 s1, $0x11  }
0xbb: {  	s0 =	sor.u32 s1, s0  }
0xbc: {  	s0 =	sadd.s32 $0x8F2B, s0  }
0xbd: {  	[sflag:s0] =	ssyncadd.remote.s32 $0x1  }
0xbe: {  	_ =	sfence.sel $0xFFFF  }
0xbf: {  	[dreg:$0x0] =	wrdreg $0xFFFFFFFF;
	(pc) =	sbr.abs _section_cstart, $3  }
0xc0: {  	[dreg:$0x1] =	wrdreg $0xFFFFFFFF  }
0xc1: {  	_ =	task.clear_ibuf [dreg:s7], $0x2FFFF;
	_ =	strace $0x9FFFFFFF  }
0xc2: {  	(tm) =	ssettm $0x7FFFFFFF  }
0xc3: {  	_ =	shalt  }
tec
execute0_lowered:
.L_overlay_start_1:
0x0: {  	(tag) =	ssettag $0x1  }
0x1: {  	s3 =	rddreg [dreg:$0x0]  }
0x2: {  	s1 =	srdreg.scid;
	s0 =	stileid.u32  }
0x3: {  	s5 =	rddreg [dreg:$0x1];
	s2 =	simm.s32 $0x0;
	s16 =	simm.s32 $0x2000  }
0x4: {  	s4 =	sand.u32 $0x1, s1;
	s6 =	sshll.u32 s0, $0x1;
	s1 =	rddreg [dreg:$0x2]  }
0x5: {  	s18 =	simm.s32 $0x2080;
	[smem:$0x7FF] =	sst s2;
	s6 =	sor.u32 s4, s6  }
0x6: {  	_ =	strace $0x80000047;
	[dreg:$0x3] =	wrdreg s16;
	s8 =	sshll.u32 s6, $0x3  }
0x7: {  	[dreg:$0x7] =	wrdreg s18;
	s7 =	sshll.u32 s6, $0xA;
	s5 =	sadd.s32 s5, s8  }
0x8: {  	s7 =	sadd.s32 s7, s3;
	[dreg:$0x4] =	wrdreg s5  }
0x9: {  	s6 =	sshll.u32 s6, $0x4;
	s15 =	sadd.s32 $0x1870200, s7;
	s5 =	rddreg [dreg:$0x3]  }
0xa: {  	s3 =	sadd.s32 s6, s3;
	[dreg:$0x5] =	wrdreg s15  }
0xb: {  	s3 =	sadd.s32 $0x1878200, s3;
	s17 =	rddreg [dreg:$0x4]  }
0xc: {  	[dreg:$0x6] =	wrdreg s3;
	s3 =	simm.s32 $0x1  }
0xd: {  	[tilespmem:s5], [sflag:$0x1] =	stream.linear.gather [hbm4b:s17+s2], $0x40, $0x38;
	[tilespmem:$0x2100] =	vst v63  }
0xe: {  	_ =	swait.ge [sflag:s3], $0x40  }
0xf: {  	[sflag:s3] =	ssyncset.done $0x0  }
0x10: {  	s19 =	rddreg [dreg:$0x5];
	[sflag:s3] =	ssyncadd.s32 $0xFFFFFFC0  }
0x11: {  	[tilespmem:s2], [sflag:$0x1] =	stream.linear.gather [hbm4b:s19+s2], $0x2000, $0x38;
	[tilespmem:$0x2100] =	vst v63  }
0x12: {  	_ =	swait.ge [sflag:s3], $0x2000  }
0x13: {  	[sflag:s3] =	ssyncset.done $0x0  }
0x14: {  	[sflag:s3] =	ssyncadd.s32 $0xFFFFE000  }
0x15: {  	v2 =	vld [tilespmem:$0x2000];
	_ =	sdelay $0x4  }
0x16: {  	(v2sf) =	vpush v2, $0x3  }
0x17: {  	(v2sf) =	vpush v2, $0x2  }
0x18: {  	(v2sf) =	vpush v2, $0x0  }
0x19: {  	(v2sf) =	vpush v2, $0x1;
	_ =	sdelay $0x5  }
0x1a: {  	(v2sf) =	vpush v2, $0x4;
	_ =	sdelay $0x1  }
0x1b: {  	(v2sf) =	vpush v2, $0x5;
	_ =	sdelay $0x1  }
0x1c: {  	(v2sf) =	vpush v2, $0x6;
	_ =	sdelay $0x1  }
0x1d: {  	v1 =	vld [tilespmem:$0x0];
	(v2sf) =	vpush v2, $0x7;
	s20 =	spop (v2sf)  }
0x1e: {  	s21 =	spop (v2sf)  }
0x1f: {  	(v2sf) =	vpush v2, $0x8;
	s22 =	spop (v2sf)  }
0x20: {  	s8 =	simm.s32 $0xFFFFFFFF;
	v3 =	vld [tilespmem:$0x80];
	s23 =	spop (v2sf)  }
0x21: {  	s7 =	simm.s32 $0xFFFFFFFF;
	(v2sf) =	vpush v2, $0x9;
	p0 =	seq.s32 s22, $0x0;
	p1 =	seq.s32 s23, $0x0  }
0x22: {  	v0 =	vlaneseq.u32;
	v4 =	vld [tilespmem:$0x100];
	v1 =	vadd.f32 $0.0e+00, v1;
	s8 =	simm.s32 @!p0 $0x0;
	s7 =	simm.s32 @!p1 $0x0  }
0x23: {  	s6 =	simm.s32 $0xFFFFFFFF;
	(v2sf) =	vpush v2, $0xA;
	p0 =	seq.s32 s21, $0x0;
	v5 =	vmov s8;
	v6 =	vmov s7  }
0x24: {  	v7 =	vld [tilespmem:$0x180];
	(v2sf) =	vpush v2, $0xB;
	s6 =	simm.s32 @!p0 $0x0;
	vm0 =	veq.s32 v5, v0;
	vm1 =	veq.s32 v6, v0  }
0x25: {  	s5 =	simm.s32 $0xFFFFFFFF;
	p0 =	seq.s32 s20, $0x0;
	v36 =	vmov s6;
	v1 =	vnsel vm0, $0x0, v1;
	v3 =	vnsel vm1, $0x0, v3  }
0x26: {  	v37 =	vld [tilespmem:$0x200];
	s24 =	spop (v2sf);
	s5 =	simm.s32 @!p0 $0x0;
	vm10 =	veq.s32 v36, v0;
	v1 =	vadd.f32 v3, v1  }
0x27: {  	(v2sf) =	vpush v2, $0xC;
	p0 =	seq.s32 s24, $0x0;
	v4 =	vnsel vm10, $0x0, v4;
	v3 =	vmov s5;
	s5 =	simm.s32 $0xFFFFFFFF  }
0x28: {  	v38 =	vld [tilespmem:$0x280];
	s25 =	spop (v2sf);
	s5 =	simm.s32 @!p0 $0x0;
	vm11 =	veq.s32 v3, v0;
	v1 =	vadd.f32 v1, v4  }
0x29: {  	v8 =	vld [tilespmem:$0x300];
	(v2sf) =	vpush v2, $0xD;
	p0 =	seq.s32 s25, $0x0;
	v39 =	vmov s5;
	s5 =	simm.s32 $0xFFFFFFFF;
	v7 =	vnsel vm11, $0x0, v7  }
0x2a: {  	s26 =	spop (v2sf);
	v3 =	vld [tilespmem:$0x2010];
	s5 =	simm.s32 @!p0 $0x0;
	vm12 =	veq.s32 v39, v0;
	v1 =	vadd.f32 v1, v7  }
0x2b: {  	(v2sf) =	vpush v2, $0xE;
	p0 =	seq.s32 s26, $0x0;
	v40 =	vmov s5;
	s5 =	simm.s32 $0xFFFFFFFF;
	v6 =	vnsel vm12, $0x0, v37  }
0x2c: {  	v41 =	vld [tilespmem:$0x380];
	s28 =	spop (v2sf);
	s5 =	simm.s32 @!p0 $0x0;
	vm13 =	veq.s32 v40, v0;
	v1 =	vadd.f32 v1, v6  }
0x2d: {  	s6 =	simm.s32 $0xFFFFFFFF;
	(v2sf) =	vpush v2, $0xF;
	p0 =	seq.s32 s28, $0x0;
	v42 =	vmov s5;
	v5 =	vnsel vm13, $0x0, v38  }
0x2e: {  	v43 =	vld [tilespmem:$0x400];
	s29 =	spop (v2sf);
	s6 =	simm.s32 @!p0 $0x0;
	vm14 =	veq.s32 v42, v0;
	v1 =	vadd.f32 v1, v5  }
0x2f: {  	v9 =	vld [tilespmem:$0x480];
	(v2sf) =	vpush v3, $0x0;
	s5 =	simm.s32 $0xFFFFFFFF;
	p0 =	seq.s32 s29, $0x0;
	v44 =	vmov s6;
	v8 =	vnsel vm14, $0x0, v8  }
0x30: {  	v4 =	vld [tilespmem:$0x2020];
	s30 =	spop (v2sf);
	s5 =	simm.s32 @!p0 $0x0;
	vm15 =	veq.s32 v44, v0;
	v1 =	vadd.f32 v1, v8  }
0x31: {  	(v2sf) =	vpush v3, $0x1;
	s6 =	simm.s32 $0xFFFFFFFF;
	p0 =	seq.s32 s30, $0x0;
	v45 =	vmov s5;
	v7 =	vnsel vm15, $0x0, v41  }
0x32: {  	v46 =	vld [tilespmem:$0x500];
	(v2sf) =	vpush v3, $0x2;
	s31 =	spop (v2sf);
	s6 =	simm.s32 @!p0 $0x0;
	vm4 =	veq.s32 v45, v0;
	v1 =	vadd.f32 v1, v7  }
0x33: {  	(v2sf) =	vpush v3, $0x3;
	p0 =	seq.s32 s31, $0x0;
	s5 =	simm.s32 $0xFFFFFFFF;
	v47 =	vmov s6;
	v6 =	vnsel vm4, $0x0, v43  }
0x34: {  	v48 =	vld [tilespmem:$0x580];
	s7 =	spop (v2sf);
	(v2sf) =	vpush v3, $0x4;
	s5 =	simm.s32 @!p0 $0x0;
	vm5 =	veq.s32 v47, v0;
	v1 =	vadd.f32 v1, v6  }
0x35: {  	p0 =	seq.s32 s7, $0x0;
	s6 =	simm.s32 $0xFFFFFFFF;
	(v2sf) =	vpush v4, $0x1;
	v49 =	vmov s5;
	v50 =	vnsel vm5, $0x0, v9  }
0x36: {  	v51 =	vld [tilespmem:$0x600];
	s8 =	spop (v2sf);
	s6 =	simm.s32 @!p0 $0x0;
	(v2sf) =	vpush v4, $0x2;
	vm6 =	veq.s32 v49, v0;
	v1 =	vadd.f32 v1, v50  }
0x37: {  	p0 =	seq.s32 s8, $0x0;
	s5 =	simm.s32 $0xFFFFFFFF;
	v52 =	vmov s6;
	(v2sf) =	vpush v3, $0x5;
	v53 =	vnsel vm6, $0x0, v46  }
0x38: {  	v54 =	vld [tilespmem:$0x680];
	s9 =	spop (v2sf);
	s5 =	simm.s32 @!p0 $0x0;
	vm7 =	veq.s32 v52, v0;
	(v2sf) =	vpush v3, $0x6;
	v1 =	vadd.f32 v1, v53  }
0x39: {  	p0 =	seq.s32 s9, $0x0;
	v55 =	vmov s5;
	s5 =	simm.s32 $0xFFFFFFFF;
	v56 =	vnsel vm7, $0x0, v48;
	(v2sf) =	vpush v3, $0x7  }
0x3a: {  	v57 =	vld [tilespmem:$0x700];
	s10 =	spop (v2sf);
	s5 =	simm.s32 @!p0 $0x0;
	vm8 =	veq.s32 v55, v0;
	(v2sf) =	vpush v4, $0x3;
	v1 =	vadd.f32 v1, v56  }
0x3b: {  	p0 =	seq.s32 s10, $0x0;
	v58 =	vmov s5;
	s5 =	simm.s32 $0xFFFFFFFF;
	v59 =	vnsel vm8, $0x0, v51;
	(v2sf) =	vpush v4, $0x4  }
0x3c: {  	v60 =	vld [tilespmem:$0x780];
	s11 =	spop (v2sf);
	s5 =	simm.s32 @!p0 $0x0;
	vm9 =	veq.s32 v58, v0;
	(v2sf) =	vpush v4, $0x5;
	v1 =	vadd.f32 v1, v59  }
0x3d: {  	p0 =	seq.s32 s11, $0x0;
	v61 =	vmov s5;
	s5 =	simm.s32 $0xFFFFFFFF;
	v62 =	vnsel vm9, $0x0, v54;
	(v2sf) =	vpush v4, $0x6  }
0x3e: {  	v63 =	vld [tilespmem:$0x800];
	s5 =	simm.s32 @!p0 $0x0;
	vm10 =	veq.s32 v61, v0;
	(v2sf) =	vpush v4, $0x7;
	s12 =	spop (v2sf);
	v1 =	vadd.f32 v1, v62  }
0x3f: {  	v10 =	vmov s5;
	s5 =	simm.s32 $0xFFFFFFFF;
	v11 =	vnsel vm10, $0x0, v57;
	(v2sf) =	vpush v3, $0x8;
	p0 =	seq.s32 s12, $0x0  }
0x40: {  	v12 =	vld [tilespmem:$0x880];
	vm11 =	veq.s32 v10, v0;
	s13 =	spop (v2sf);
	s5 =	simm.s32 @!p0 $0x0;
	v1 =	vadd.f32 v1, v11  }
0x41: {  	v14 =	vnsel vm11, $0x0, v60;
	p0 =	seq.s32 s13, $0x0;
	s14 =	spop (v2sf);
	(v2sf) =	vpush v3, $0x9;
	v13 =	vmov s5;
	s5 =	simm.s32 $0xFFFFFFFF  }
0x42: {  	v15 =	vld [tilespmem:$0x900];
	s15 =	spop (v2sf);
	s5 =	simm.s32 @!p0 $0x0;
	vm12 =	veq.s32 v13, v0;
	v1 =	vadd.f32 v1, v14  }
0x43: {  	p0 =	seq.s32 s14, $0x0;
	s16 =	spop (v2sf);
	(v2sf) =	vpush v3, $0xA;
	v16 =	vmov s5;
	s5 =	simm.s32 $0xFFFFFFFF;
	v17 =	vnsel vm12, $0x0, v63  }
0x44: {  	v18 =	vld [tilespmem:$0x980];
	s17 =	spop (v2sf);
	(v2sf) =	vpush v4, $0x8;
	s5 =	simm.s32 @!p0 $0x0;
	vm13 =	veq.s32 v16, v0;
	v1 =	vadd.f32 v17, v1  }
0x45: {  	s8 =	simm.s32 $0xFFFFFFFF;
	p0 =	seq.s32 s15, $0x0;
	s18 =	spop (v2sf);
	(v2sf) =	vpush v3, $0xB;
	v19 =	vmov s5;
	v20 =	vnsel vm13, $0x0, v12  }
0x46: {  	v21 =	vld [tilespmem:$0xA00];
	s8 =	simm.s32 @!p0 $0x0;
	s9 =	spop (v2sf);
	(v2sf) =	vpush v4, $0x9;
	vm14 =	veq.s32 v19, v0;
	v1 =	vadd.f32 v1, v20  }
0x47: {  	s6 =	simm.s32 $0xFFFFFFFF;
	p0 =	seq.s32 s16, $0x0;
	v22 =	vmov s8;
	s19 =	spop (v2sf);
	(v2sf) =	vpush v3, $0xC;
	v23 =	vnsel vm14, $0x0, v15  }
0x48: {  	v24 =	vld [tilespmem:$0xA80];
	s6 =	simm.s32 @!p0 $0x0;
	s12 =	spop (v2sf);
	vm15 =	veq.s32 v22, v0;
	v1 =	vadd.f32 v1, v23  }
0x49: {  	p0 =	seq.s32 s9, $0x0;
	v25 =	vmov s6;
	s6 =	simm.s32 $0xFFFFFFFF;
	(v2sf) =	vpush v3, $0xD;
	s11 =	spop (v2sf);
	v26 =	vnsel vm15, $0x0, v18  }
0x4a: {  	v27 =	vld [tilespmem:$0xB00];
	s6 =	simm.s32 @!p0 $0x0;
	vm4 =	veq.s32 v25, v0;
	s20 =	spop (v2sf);
	v1 =	vadd.f32 v1, v26  }
0x4b: {  	p0 =	seq.s32 s19, $0x0;
	(v2sf) =	vpush v3, $0xE;
	v28 =	vmov s6;
	s6 =	simm.s32 $0xFFFFFFFF;
	v29 =	vnsel vm4, $0x0, v21;
	s10 =	spop (v2sf)  }
0x4c: {  	v30 =	vld [tilespmem:$0xB80];
	s6 =	simm.s32 @!p0 $0x0;
	vm5 =	veq.s32 v28, v0;
	s21 =	spop (v2sf);
	v1 =	vadd.f32 v1, v29  }
0x4d: {  	p0 =	seq.s32 s12, $0x0;
	s12 =	simm.s32 $0xFFFFFFFF;
	(v2sf) =	vpush v3, $0xF;
	v31 =	vmov s6;
	v32 =	vnsel vm5, $0x0, v24;
	s22 =	spop (v2sf)  }
0x4e: {  	v33 =	vld [tilespmem:$0xC00];
	s12 =	simm.s32 @!p0 $0x0;
	vm6 =	veq.s32 v31, v0;
	s13 =	spop (v2sf);
	v1 =	vadd.f32 v1, v32  }
0x4f: {  	v34 =	vmov s12;
	(v2sf) =	vpush v4, $0x0;
	s12 =	simm.s32 $0xFFFFFFFF;
	v8 =	vnsel vm6, $0x0, v27;
	p0 =	seq.s32 s13, $0x0  }
0x50: {  	v35 =	vld [tilespmem:$0xC80];
	vm7 =	veq.s32 v34, v0;
	s12 =	simm.s32 @!p0 $0x0;
	s23 =	spop (v2sf);
	v1 =	vadd.f32 v1, v8  }
0x51: {  	v7 =	vnsel vm7, $0x0, v30;
	v36 =	vmov s12;
	p0 =	seq.s32 s23, $0x0;
	s12 =	simm.s32 $0xFFFFFFFF  }
0x52: {  	v37 =	vld [tilespmem:$0xD00];
	vm8 =	veq.s32 v36, v0;
	s12 =	simm.s32 @!p0 $0x0;
	s24 =	spop (v2sf);
	v1 =	vadd.f32 v1, v7  }
0x53: {  	s13 =	simm.s32 $0xFFFFFFFF;
	v38 =	vmov s12;
	p0 =	seq.s32 s24, $0x0;
	s25 =	spop (v2sf);
	v5 =	vnsel vm8, $0x0, v33  }
0x54: {  	v39 =	vld [tilespmem:$0xD80];
	vm9 =	veq.s32 v38, v0;
	s13 =	simm.s32 @!p0 $0x0;
	s14 =	spop (v2sf);
	v1 =	vadd.f32 v1, v5  }
0x55: {  	v40 =	vmov s13;
	p0 =	seq.s32 s14, $0x0;
	s26 =	spop (v2sf);
	s14 =	simm.s32 $0xFFFFFFFF;
	v6 =	vnsel vm9, $0x0, v35  }
0x56: {  	v41 =	vld [tilespmem:$0xE00];
	vm10 =	veq.s32 v40, v0;
	s14 =	simm.s32 @!p0 $0x0;
	s15 =	spop (v2sf);
	v1 =	vadd.f32 v1, v6  }
0x57: {  	v42 =	vmov s14;
	p0 =	seq.s32 s15, $0x0;
	s14 =	simm.s32 $0xFFFFFFFF;
	v7 =	vnsel vm10, $0x0, v37  }
0x58: {  	v43 =	vld [tilespmem:$0xE80];
	s28 =	spop (v2sf);
	vm11 =	veq.s32 v42, v0;
	s14 =	simm.s32 @!p0 $0x0;
	v1 =	vadd.f32 v1, v7  }
0x59: {  	p0 =	seq.s32 s28, $0x0;
	v44 =	vmov s14;
	s14 =	simm.s32 $0xFFFFFFFF;
	v5 =	vnsel vm11, $0x0, v39  }
0x5a: {  	v45 =	vld [tilespmem:$0xF00];
	s29 =	spop (v2sf);
	s14 =	simm.s32 @!p0 $0x0;
	vm12 =	veq.s32 v44, v0;
	v1 =	vadd.f32 v1, v5  }
0x5b: {  	p0 =	seq.s32 s29, $0x0;
	v46 =	vmov s14;
	s14 =	simm.s32 $0xFFFFFFFF;
	v6 =	vnsel vm12, $0x0, v41  }
0x5c: {  	v47 =	vld [tilespmem:$0xF80];
	s30 =	spop (v2sf);
	s14 =	simm.s32 @!p0 $0x0;
	vm13 =	veq.s32 v46, v0;
	v1 =	vadd.f32 v1, v6  }
0x5d: {  	p0 =	seq.s32 s30, $0x0;
	v48 =	vmov s14;
	s14 =	simm.s32 $0xFFFFFFFF;
	v7 =	vnsel vm13, $0x0, v43  }
0x5e: {  	v49 =	vld [tilespmem:$0x1000];
	s31 =	spop (v2sf);
	s14 =	simm.s32 @!p0 $0x0;
	vm14 =	veq.s32 v48, v0;
	v1 =	vadd.f32 v1, v7  }
0x5f: {  	p0 =	seq.s32 s31, $0x0;
	v50 =	vmov s14;
	s14 =	simm.s32 $0xFFFFFFFF;
	v5 =	vnsel vm14, $0x0, v45  }
0x60: {  	v51 =	vld [tilespmem:$0x1080];
	s14 =	simm.s32 @!p0 $0x0;
	vm15 =	veq.s32 v50, v0;
	v1 =	vadd.f32 v1, v5  }
0x61: {  	s7 =	simm.s32 $0xFFFFFFFF;
	p0 =	seq.s32 s17, $0x0;
	v52 =	vmov s14;
	v6 =	vnsel vm15, $0x0, v47  }
0x62: {  	v53 =	vld [tilespmem:$0x1100];
	s7 =	simm.s32 @!p0 $0x0;
	vm4 =	veq.s32 v52, v0;
	v1 =	vadd.f32 v1, v6  }
0x63: {  	s5 =	simm.s32 $0xFFFFFFFF;
	(v2sf) =	vpush v4, $0xA;
	p0 =	seq.s32 s18, $0x0;
	v54 =	vmov s7;
	v7 =	vnsel vm4, $0x0, v49  }
0x64: {  	v55 =	vld [tilespmem:$0x1180];
	s5 =	simm.s32 @!p0 $0x0;
	vm5 =	veq.s32 v54, v0;
	v1 =	vadd.f32 v7, v1  }
0x65: {  	(v2sf) =	vpush v4, $0xB;
	p0 =	seq.s32 s11, $0x0;
	v56 =	vmov s5;
	s5 =	simm.s32 $0xFFFFFFFF;
	v5 =	vnsel vm5, $0x0, v51  }
0x66: {  	v57 =	vld [tilespmem:$0x1200];
	vm6 =	veq.s32 v56, v0;
	s5 =	simm.s32 @!p0 $0x0;
	v1 =	vadd.f32 v1, v5  }
0x67: {  	(v2sf) =	vpush v4, $0xC;
	p0 =	seq.s32 s20, $0x0;
	v58 =	vmov s5;
	s5 =	simm.s32 $0xFFFFFFFF;
	v6 =	vnsel vm6, $0x0, v53  }
0x68: {  	v59 =	vld [tilespmem:$0x1280];
	s5 =	simm.s32 @!p0 $0x0;
	vm7 =	veq.s32 v58, v0;
	v1 =	vadd.f32 v1, v6  }
0x69: {  	v61 =	vld [tilespmem:$0x1300];
	(v2sf) =	vpush v4, $0xD;
	p0 =	seq.s32 s10, $0x0;
	v60 =	vmov s5;
	s5 =	simm.s32 $0xFFFFFFFF;
	v7 =	vnsel vm7, $0x0, v55  }
0x6a: {  	s5 =	simm.s32 @!p0 $0x0;
	vm8 =	veq.s32 v60, v0;
	v5 =	vld [tilespmem:$0x2030];
	v1 =	vadd.f32 v1, v7  }
0x6b: {  	(v2sf) =	vpush v4, $0xE;
	p0 =	seq.s32 s21, $0x0;
	v62 =	vmov s5;
	s5 =	simm.s32 $0xFFFFFFFF;
	v8 =	vnsel vm8, $0x0, v57  }
0x6c: {  	v63 =	vld [tilespmem:$0x1380];
	s5 =	simm.s32 @!p0 $0x0;
	vm9 =	veq.s32 v62, v0;
	v1 =	vadd.f32 v1, v8  }
0x6d: {  	(v2sf) =	vpush v4, $0xF;
	p0 =	seq.s32 s22, $0x0;
	v12 =	vmov s5;
	s5 =	simm.s32 $0xFFFFFFFF;
	v6 =	vnsel vm9, $0x0, v59  }
0x6e: {  	v13 =	vld [tilespmem:$0x1400];
	vm10 =	veq.s32 v12, v0;
	s5 =	simm.s32 @!p0 $0x0;
	v1 =	vadd.f32 v1, v6  }
0x6f: {  	p0 =	seq.s32 s25, $0x0;
	v14 =	vmov s5;
	s5 =	simm.s32 $0xFFFFFFFF;
	v7 =	vnsel vm10, $0x0, v61;
	(v2sf) =	vpush v5, $0x0  }
0x70: {  	v15 =	vld [tilespmem:$0x1480];
	vm11 =	veq.s32 v14, v0;
	s5 =	simm.s32 @!p0 $0x0;
	v1 =	vadd.f32 v1, v7  }
0x71: {  	p0 =	seq.s32 s26, $0x0;
	v16 =	vmov s5;
	s5 =	simm.s32 $0xFFFFFFFF;
	(v2sf) =	vpush v5, $0x1;
	v8 =	vnsel vm11, $0x0, v63  }
0x72: {  	v17 =	vld [tilespmem:$0x1500];
	s8 =	spop (v2sf);
	s5 =	simm.s32 @!p0 $0x0;
	vm12 =	veq.s32 v16, v0;
	v1 =	vadd.f32 v1, v8  }
0x73: {  	p0 =	seq.s32 s8, $0x0;
	v18 =	vmov s5;
	s5 =	simm.s32 $0xFFFFFFFF;
	(v2sf) =	vpush v5, $0x2;
	v6 =	vnsel vm12, $0x0, v13  }
0x74: {  	v19 =	vld [tilespmem:$0x1580];
	s9 =	spop (v2sf);
	vm13 =	veq.s32 v18, v0;
	s5 =	simm.s32 @!p0 $0x0;
	v1 =	vadd.f32 v1, v6  }
0x75: {  	p0 =	seq.s32 s9, $0x0;
	(v2sf) =	vpush v5, $0x3;
	v20 =	vmov s5;
	s5 =	simm.s32 $0xFFFFFFFF;
	v7 =	vnsel vm13, $0x0, v15  }
0x76: {  	v21 =	vld [tilespmem:$0x1600];
	s10 =	spop (v2sf);
	vm14 =	veq.s32 v20, v0;
	s5 =	simm.s32 @!p0 $0x0;
	v1 =	vadd.f32 v1, v7  }
0x77: {  	(v2sf) =	vpush v5, $0x4;
	p0 =	seq.s32 s10, $0x0;
	v22 =	vmov s5;
	s5 =	simm.s32 $0xFFFFFFFF;
	v8 =	vnsel vm14, $0x0, v17  }
0x78: {  	v23 =	vld [tilespmem:$0x1680];
	s11 =	spop (v2sf);
	vm15 =	veq.s32 v22, v0;
	s5 =	simm.s32 @!p0 $0x0;
	v1 =	vadd.f32 v1, v8  }
0x79: {  	(v2sf) =	vpush v5, $0x5;
	p0 =	seq.s32 s11, $0x0;
	v24 =	vmov s5;
	s5 =	simm.s32 $0xFFFFFFFF;
	v6 =	vnsel vm15, $0x0, v19  }
0x7a: {  	v25 =	vld [tilespmem:$0x1700];
	s12 =	spop (v2sf);
	s5 =	simm.s32 @!p0 $0x0;
	vm4 =	veq.s32 v24, v0;
	v1 =	vadd.f32 v1, v6  }
0x7b: {  	(v2sf) =	vpush v5, $0x6;
	p0 =	seq.s32 s12, $0x0;
	v26 =	vmov s5;
	s5 =	simm.s32 $0xFFFFFFFF;
	v7 =	vnsel vm4, $0x0, v21  }
0x7c: {  	v27 =	vld [tilespmem:$0x1780];
	s13 =	spop (v2sf);
	s5 =	simm.s32 @!p0 $0x0;
	vm5 =	veq.s32 v26, v0;
	v1 =	vadd.f32 v1, v7  }
0x7d: {  	(v2sf) =	vpush v5, $0x7;
	p0 =	seq.s32 s13, $0x0;
	v28 =	vmov s5;
	s5 =	simm.s32 $0xFFFFFFFF;
	v8 =	vnsel vm5, $0x0, v23  }
0x7e: {  	v29 =	vld [tilespmem:$0x1800];
	s5 =	simm.s32 @!p0 $0x0;
	vm6 =	veq.s32 v28, v0;
	s14 =	spop (v2sf);
	v1 =	vadd.f32 v1, v8  }
0x7f: {  	v30 =	vmov s5;
	s5 =	simm.s32 $0xFFFFFFFF;
	(v2sf) =	vpush v5, $0x8;
	v6 =	vnsel vm6, $0x0, v25;
	p0 =	seq.s32 s14, $0x0  }
0x80: {  	v31 =	vld [tilespmem:$0x1880];
	vm7 =	veq.s32 v30, v0;
	s15 =	spop (v2sf);
	s5 =	simm.s32 @!p0 $0x0;
	v1 =	vadd.f32 v1, v6  }
0x81: {  	(v2sf) =	vpush v5, $0x9;
	p0 =	seq.s32 s15, $0x0;
	v7 =	vnsel vm7, $0x0, v27;
	v32 =	vmov s5;
	s5 =	simm.s32 $0xFFFFFFFF  }
0x82: {  	v33 =	vld [tilespmem:$0x1900];
	s16 =	spop (v2sf);
	s5 =	simm.s32 @!p0 $0x0;
	vm8 =	veq.s32 v32, v0;
	v1 =	vadd.f32 v1, v7  }
0x83: {  	(v2sf) =	vpush v5, $0xA;
	p0 =	seq.s32 s16, $0x0;
	v34 =	vmov s5;
	s5 =	simm.s32 $0xFFFFFFFF;
	v8 =	vnsel vm8, $0x0, v29  }
0x84: {  	v35 =	vld [tilespmem:$0x1980];
	s17 =	spop (v2sf);
	s5 =	simm.s32 @!p0 $0x0;
	vm9 =	veq.s32 v34, v0;
	v1 =	vadd.f32 v8, v1  }
0x85: {  	(v2sf) =	vpush v5, $0xB;
	p0 =	seq.s32 s17, $0x0;
	v36 =	vmov s5;
	s5 =	simm.s32 $0xFFFFFFFF;
	v6 =	vnsel vm9, $0x0, v31  }
0x86: {  	v37 =	vld [tilespmem:$0x1A00];
	s18 =	spop (v2sf);
	s5 =	simm.s32 @!p0 $0x0;
	vm10 =	veq.s32 v36, v0;
	v1 =	vadd.f32 v1, v6  }
0x87: {  	(v2sf) =	vpush v5, $0xC;
	p0 =	seq.s32 s18, $0x0;
	v38 =	vmov s5;
	s5 =	simm.s32 $0xFFFFFFFF;
	v7 =	vnsel vm10, $0x0, v33  }
0x88: {  	v39 =	vld [tilespmem:$0x1A80];
	s19 =	spop (v2sf);
	s5 =	simm.s32 @!p0 $0x0;
	vm11 =	veq.s32 v38, v0;
	v1 =	vadd.f32 v1, v7  }
0x89: {  	(v2sf) =	vpush v5, $0xD;
	p0 =	seq.s32 s19, $0x0;
	v40 =	vmov s5;
	s5 =	simm.s32 $0xFFFFFFFF;
	v8 =	vnsel vm11, $0x0, v35  }
0x8a: {  	v41 =	vld [tilespmem:$0x1B00];
	s20 =	spop (v2sf);
	s5 =	simm.s32 @!p0 $0x0;
	vm12 =	veq.s32 v40, v0;
	v1 =	vadd.f32 v1, v8  }
0x8b: {  	(v2sf) =	vpush v5, $0xE;
	p0 =	seq.s32 s20, $0x0;
	v42 =	vmov s5;
	s5 =	simm.s32 $0xFFFFFFFF;
	v6 =	vnsel vm12, $0x0, v37  }
0x8c: {  	v43 =	vld [tilespmem:$0x1B80];
	s21 =	spop (v2sf);
	s5 =	simm.s32 @!p0 $0x0;
	vm13 =	veq.s32 v42, v0;
	v1 =	vadd.f32 v1, v6  }
0x8d: {  	(v2sf) =	vpush v5, $0xF;
	p0 =	seq.s32 s21, $0x0;
	v44 =	vmov s5;
	s5 =	simm.s32 $0xFFFFFFFF;
	v7 =	vnsel vm13, $0x0, v39  }
0x8e: {  	v45 =	vld [tilespmem:$0x1C00];
	s22 =	spop (v2sf);
	s5 =	simm.s32 @!p0 $0x0;
	vm14 =	veq.s32 v44, v0;
	v1 =	vadd.f32 v1, v7  }
0x8f: {  	p0 =	seq.s32 s22, $0x0;
	v46 =	vmov s5;
	s5 =	simm.s32 $0xFFFFFFFF;
	v8 =	vnsel vm14, $0x0, v41  }
0x90: {  	v47 =	vld [tilespmem:$0x1C80];
	s23 =	spop (v2sf);
	s5 =	simm.s32 @!p0 $0x0;
	vm15 =	veq.s32 v46, v0;
	v1 =	vadd.f32 v1, v8  }
0x91: {  	p0 =	seq.s32 s23, $0x0;
	v48 =	vmov s5;
	s5 =	simm.s32 $0xFFFFFFFF;
	v6 =	vnsel vm15, $0x0, v43  }
0x92: {  	v49 =	vld [tilespmem:$0x1D00];
	s24 =	spop (v2sf);
	s5 =	simm.s32 @!p0 $0x0;
	vm4 =	veq.s32 v48, v0;
	v1 =	vadd.f32 v1, v6  }
0x93: {  	p0 =	seq.s32 s24, $0x0;
	v50 =	vmov s5;
	s5 =	simm.s32 $0xFFFFFFFF;
	v7 =	vnsel vm4, $0x0, v45  }
0x94: {  	v51 =	vld [tilespmem:$0x1D80];
	s25 =	spop (v2sf);
	s5 =	simm.s32 @!p0 $0x0;
	vm5 =	veq.s32 v50, v0;
	v1 =	vadd.f32 v1, v7  }
0x95: {  	p0 =	seq.s32 s25, $0x0;
	v52 =	vmov s5;
	s5 =	simm.s32 $0xFFFFFFFF;
	v8 =	vnsel vm5, $0x0, v47  }
0x96: {  	v53 =	vld [tilespmem:$0x1E00];
	s26 =	spop (v2sf);
	s5 =	simm.s32 @!p0 $0x0;
	vm6 =	veq.s32 v52, v0;
	v8 =	vadd.f32 v1, v8  }
0x97: {  	vm7 =	veq.s32 v2, $0x0;
	p0 =	seq.s32 s26, $0x0;
	v10 =	vmov s5;
	s5 =	simm.s32 $0xFFFFFFFF;
	v6 =	vnsel vm6, $0x0, v49  }
0x98: {  	v54 =	vld [tilespmem:$0x1E80];
	vm9 =	veq.s32 v3, $0x0;
	s28 =	spop (v2sf);
	s5 =	simm.s32 @!p0 $0x0;
	vm8 =	veq.s32 v10, v0;
	v2 =	vadd.f32 v8, v6  }
0x99: {  	vm11 =	veq.s32 v4, $0x0;
	p0 =	seq.s32 s28, $0x0;
	v56 =	vmov s5;
	s5 =	simm.s32 $0xFFFFFFFF;
	v7 =	vnsel vm8, $0x0, v51  }
0x9a: {  	v3 =	vld [tilespmem:$0x1F00];
	vm14 =	veq.s32 v5, $0x0;
	s29 =	spop (v2sf);
	s5 =	simm.s32 @!p0 $0x0;
	vm10 =	veq.s32 v56, v0;
	v2 =	vadd.f32 v2, v7  }
0x9b: {  	v1 =	vimm.f32 $1.000000000e+00;
	p0 =	seq.s32 s29, $0x0;
	v58 =	vmov s5;
	s5 =	simm.s32 $0xFFFFFFFF;
	v9 =	vnsel vm10, $0x0, v53  }
0x9c: {  	v59 =	vld [tilespmem:$0x1F80];
	s30 =	spop (v2sf);
	v55 =	vsel vm7, $0x0, v1;
	s5 =	simm.s32 @!p0 $0x0;
	vm12 =	veq.s32 v58, v0;
	v2 =	vadd.f32 v2, v9  }
0x9d: {  	s7 =	simm.s32 $0xFFFFFFFF;
	v57 =	vsel vm9, $0x0, v1;
	p0 =	seq.s32 s30, $0x0;
	v60 =	vmov s5;
	v6 =	vnsel vm12, $0x0, v54  }
0x9e: {  	s7 =	simm.s32 @!p0 $0x0;
	v7 =	vadd.f32 v57, v55;
	vm13 =	veq.s32 v60, v0;
	v2 =	vadd.f32 v2, v6  }
0x9f: {  	s4 =	ssub.s32 $0x2, s4;
	v61 =	vsel vm11, $0x0, v1;
	v62 =	vmov s7;
	v3 =	vnsel vm13, $0x0, v3  }
0xa0: {  	s31 =	sshrl.u32 s4, $0x1;
	vm15 =	veq.s32 v62, v0;
	v63 =	vadd.f32 v61, v7;
	v2 =	vadd.f32 v2, v3  }
0xa1: {  	s4 =	ssub.s32 s4, s31;
	v4 =	vnsel vm15, $0x0, v59;
	v3 =	vsel vm14, $0x0, v1  }
0xa2: {  	s4 =	smax.u32 s4, $0x1;
	v3 =	vadd.f32 v3, v63;
	v2 =	vadd.f32 v2, v4  }
0xa3: {  	p0 =	sne.s32 s4, $0x1  }
.Ltmp0:
0xa4: {  	v3 =	vmul.f32 $-1.476373550e+00, v3;
	v2 =	vmul.f32 $1.000020010e-06, v2;
	(pc) =	sbr.rel @!p0 .LBB2_2-.Ltmp0, $4  }
0xa5: {  	_ = 	snop  }
0xa6: {  	v2 =	vadd.f32 v3, v2  }
0xa7: {  	s6 =	rddreg [dreg:$0x6]  }
0xa8: {  	s5 =	rddreg [dreg:$0x7];
	s4 =	sadd.s32 $0xFFFFFFFF, s4;
	[tilespmem:$0x2080] =	vst v2  }
.LBB2_1:
0xa9: {  	[hbm4b:s6+s2] =	stream.linear.scatter [tilespmem:s5], [sflag:$0x1], $0x80, $0x38;
	[tilespmem:$0x2100] =	vst v63  }
0xaa: {  	_ =	swait.ge [sflag:s3], $0x80  }
0xab: {  	s11 =	rddreg [dreg:$0x3];
	[sflag:s3] =	ssyncset.done $0x0  }
0xac: {  	s12 =	rddreg [dreg:$0x4];
	[sflag:s3] =	ssyncadd.s32 $0xFFFFFF80  }
0xad: {  	[tilespmem:s11], [sflag:$0x1] =	stream.linear.gather [hbm4b:s12+s2], $0x40, $0x38;
	[tilespmem:$0x2100] =	vst v63  }
0xae: {  	_ =	swait.ge [sflag:s3], $0x40  }
0xaf: {  	[sflag:s3] =	ssyncset.done $0x0  }
0xb0: {  	s13 =	rddreg [dreg:$0x5];
	[sflag:s3] =	ssyncadd.s32 $0xFFFFFFC0  }
0xb1: {  	[tilespmem:s2], [sflag:$0x1] =	stream.linear.gather [hbm4b:s13+s2], $0x2000, $0x38;
	[tilespmem:$0x2100] =	vst v63  }
0xb2: {  	_ =	swait.ge [sflag:s3], $0x2000  }
0xb3: {  	[sflag:s3] =	ssyncset.done $0x0  }
0xb4: {  	[sflag:s3] =	ssyncadd.s32 $0xFFFFE000  }
0xb5: {  	v6 =	vld [tilespmem:$0x2000];
	_ =	sdelay $0x4  }
0xb6: {  	(v2sf) =	vpush v6, $0x3  }
0xb7: {  	(v2sf) =	vpush v6, $0x2  }
0xb8: {  	(v2sf) =	vpush v6, $0x0  }
0xb9: {  	(v2sf) =	vpush v6, $0x1;
	_ =	sdelay $0x1  }
0xba: {  	(v2sf) =	vpush v6, $0x4  }
0xbb: {  	(v2sf) =	vpush v6, $0x5  }
0xbc: {  	(v2sf) =	vpush v6, $0x6  }
0xbd: {  	(v2sf) =	vpush v6, $0x7  }
0xbe: {  	(v2sf) =	vpush v6, $0x8  }
0xbf: {  	(v2sf) =	vpush v6, $0x9  }
0xc0: {  	(v2sf) =	vpush v6, $0xA  }
0xc1: {  	(v2sf) =	vpush v6, $0xB  }
0xc2: {  	(v2sf) =	vpush v6, $0xC  }
0xc3: {  	v5 =	vld [tilespmem:$0x2010]  }
0xc4: {  	s5 =	simm.s32 $0xFFFFFFFF;
	s6 =	simm.s32 $0xFFFFFFFF;
	v7 =	vld [tilespmem:$0x0];
	s14 =	spop (v2sf)  }
0xc5: {  	s7 =	simm.s32 $0xFFFFFFFF;
	p1 =	seq.s32 s14, $0x0;
	s15 =	spop (v2sf)  }
0xc6: {  	p2 =	seq.s32 s15, $0x0;
	s5 =	simm.s32 @!p1 $0x0;
	s16 =	spop (v2sf)  }
0xc7: {  	vm0 =	veq.s32 v6, $0x0;
	(v2sf) =	vpush v6, $0xD;
	p1 =	seq.s32 s16, $0x0;
	s6 =	simm.s32 @!p2 $0x0;
	s17 =	spop (v2sf)  }
0xc8: {  	vm7 =	veq.s32 v5, $0x0;
	(v2sf) =	vpush v6, $0xE;
	s7 =	simm.s32 @!p1 $0x0;
	p1 =	seq.s32 s17, $0x0;
	v10 =	vmov s6;
	s6 =	simm.s32 $0xFFFFFFFF  }
0xc9: {  	v7 =	vadd.f32 $0.0e+00, v7;
	v2 =	vsel vm0, $0x0, v1;
	(v2sf) =	vpush v6, $0xF;
	s18 =	spop (v2sf);
	s6 =	simm.s32 @!p1 $0x0  }
0xca: {  	v26 =	vld [tilespmem:$0x80];
	v8 =	vsel vm7, $0x0, v1;
	(v2sf) =	vpush v5, $0x0;
	p1 =	seq.s32 s18, $0x0;
	s19 =	spop (v2sf);
	v28 =	vmov s6;
	s6 =	simm.s32 $0xFFFFFFFF  }
0xcb: {  	v4 =	vld [tilespmem:$0x2020];
	v2 =	vadd.f32 v8, v2;
	(v2sf) =	vpush v5, $0x1;
	s20 =	spop (v2sf);
	s6 =	simm.s32 @!p1 $0x0  }
0xcc: {  	v27 =	vld [tilespmem:$0x100];
	v9 =	vmov s5;
	(v2sf) =	vpush v5, $0x2;
	p1 =	seq.s32 s19, $0x0;
	s21 =	spop (v2sf);
	v29 =	vmov s6;
	s6 =	simm.s32 $0xFFFFFFFF  }
0xcd: {  	(v2sf) =	vpush v5, $0x3;
	vm12 =	veq.s32 v9, v0;
	v12 =	vmov s7;
	s7 =	simm.s32 $0xFFFFFFFF;
	s22 =	spop (v2sf);
	s6 =	simm.s32 @!p1 $0x0  }
0xce: {  	v11 =	vld [tilespmem:$0x180];
	vm9 =	veq.s32 v12, v0;
	vm10 =	veq.s32 v28, v0;
	p1 =	seq.s32 s20, $0x0;
	s23 =	spop (v2sf);
	v15 =	vmov s6;
	s6 =	simm.s32 $0xFFFFFFFF  }
0xcf: {  	(v2sf) =	vpush v5, $0x4;
	v7 =	vnsel vm9, $0x0, v7;
	v8 =	vnsel vm10, $0x0, v26;
	s24 =	spop (v2sf);
	s6 =	simm.s32 @!p1 $0x0;
	p1 =	seq.s32 s21, $0x0  }
0xd0: {  	v13 =	vld [tilespmem:$0x200];
	vm11 =	veq.s32 v10, v0;
	(v2sf) =	vpush v4, $0x1;
	v7 =	vadd.f32 v8, v7;
	s25 =	spop (v2sf);
	s7 =	simm.s32 @!p1 $0x0  }
0xd1: {  	v6 =	vnsel vm11, $0x0, v27;
	(v2sf) =	vpush v4, $0x2;
	p1 =	seq.s32 s22, $0x0;
	v31 =	vmov s6;
	s6 =	simm.s32 $0xFFFFFFFF;
	s26 =	spop (v2sf)  }
0xd2: {  	v14 =	vld [tilespmem:$0x280];
	(v2sf) =	vpush v5, $0x5;
	v6 =	vadd.f32 v7, v6;
	v16 =	vmov s7;
	s6 =	simm.s32 @!p1 $0x0;
	p1 =	seq.s32 s23, $0x0;
	s7 =	simm.s32 $0xFFFFFFFF  }
0xd3: {  	v32 =	vnsel vm12, $0x0, v11;
	vm13 =	veq.s32 v29, v0;
	s7 =	simm.s32 @!p1 $0x0;
	p1 =	seq.s32 s24, $0x0;
	v34 =	vmov s6;
	s6 =	simm.s32 $0xFFFFFFFF  }
0xd4: {  	v30 =	vld [tilespmem:$0x300];
	(v2sf) =	vpush v5, $0x6;
	v6 =	vadd.f32 v6, v32;
	v17 =	vmov s7;
	s6 =	simm.s32 @!p1 $0x0;
	p1 =	seq.s32 s25, $0x0;
	s7 =	simm.s32 $0xFFFFFFFF  }
0xd5: {  	v33 =	vld [tilespmem:$0x380];
	v35 =	vnsel vm13, $0x0, v13;
	s7 =	simm.s32 @!p1 $0x0;
	p1 =	seq.s32 s26, $0x0;
	v37 =	vmov s6;
	s6 =	simm.s32 $0xFFFFFFFF  }
0xd6: {  	vm14 =	veq.s32 v15, v0;
	s28 =	spop (v2sf);
	(v2sf) =	vpush v5, $0x7;
	v6 =	vadd.f32 v6, v35;
	s6 =	simm.s32 @!p1 $0x0  }
0xd7: {  	v39 =	vnsel vm14, $0x0, v14;
	p1 =	seq.s32 s28, $0x0;
	v38 =	vmov s6;
	s6 =	simm.s32 $0xFFFFFFFF  }
0xd8: {  	v36 =	vld [tilespmem:$0x400];
	vm15 =	veq.s32 v31, v0;
	s29 =	spop (v2sf);
	v6 =	vadd.f32 v6, v39;
	s6 =	simm.s32 @!p1 $0x0  }
0xd9: {  	v41 =	vnsel vm15, $0x0, v30;
	vm4 =	veq.s32 v16, v0;
	s30 =	spop (v2sf);
	p1 =	seq.s32 s29, $0x0;
	v19 =	vmov s6;
	s6 =	simm.s32 $0xFFFFFFFF  }
0xda: {  	v40 =	vld [tilespmem:$0x480];
	v44 =	vnsel vm4, $0x0, v33;
	s31 =	spop (v2sf);
	v6 =	vadd.f32 v6, v41;
	s6 =	simm.s32 @!p1 $0x0  }
0xdb: {  	(v2sf) =	vpush v4, $0x3;
	v18 =	vmov s7;
	s7 =	spop (v2sf);
	p1 =	seq.s32 s30, $0x0;
	v20 =	vmov s6;
	s6 =	simm.s32 $0xFFFFFFFF  }
0xdc: {  	v52 =	vimm.s32 $0x0;
	v42 =	vld [tilespmem:$0x500];
	vm5 =	veq.s32 v34, v0;
	s8 =	spop (v2sf);
	v6 =	vadd.f32 v6, v44;
	s6 =	simm.s32 @!p1 $0x0  }
0xdd: {  	v11 =	vnsel vm5, $0x0, v36;
	(v2sf) =	vpush v4, $0x4;
	s9 =	spop (v2sf);
	p1 =	seq.s32 s31, $0x0;
	v21 =	vmov s6;
	s6 =	simm.s32 $0xFFFFFFFF  }
0xde: {  	v45 =	vld [tilespmem:$0x580];
	vm8 =	veq.s32 v4, $0x0;
	vm6 =	veq.s32 v17, v0;
	s10 =	spop (v2sf);
	v11 =	vadd.f32 v6, v11;
	s6 =	simm.s32 @!p1 $0x0  }
0xdf: {  	v3 =	vld [tilespmem:$0x2030];
	v14 =	vnsel vm6, $0x0, v40;
	(v2sf) =	vpush v4, $0x5;
	s11 =	spop (v2sf);
	p1 =	seq.s32 s7, $0x0;
	v43 =	vmov s6;
	s6 =	simm.s32 $0xFFFFFFFF  }
0xe0: {  	v48 =	vld [tilespmem:$0x600];
	vm7 =	veq.s32 v37, v0;
	(v2sf) =	vpush v4, $0x6;
	s12 =	spop (v2sf);
	v11 =	vadd.f32 v11, v14;
	s6 =	simm.s32 @!p1 $0x0  }
0xe1: {  	v8 =	vnsel vm7, $0x0, v42;
	s13 =	spop (v2sf);
	(v2sf) =	vpush v4, $0x7;
	p1 =	seq.s32 s8, $0x0;
	v22 =	vmov s6;
	s6 =	simm.s32 $0xFFFFFFFF  }
0xe2: {  	v51 =	vld [tilespmem:$0x680];
	vm9 =	veq.s32 v18, v0;
	(v2sf) =	vpush v5, $0x8;
	v8 =	vadd.f32 v11, v8;
	s6 =	simm.s32 @!p1 $0x0  }
0xe3: {  	v10 =	vnsel vm9, $0x0, v45;
	s14 =	spop (v2sf);
	(v2sf) =	vpush v5, $0x9;
	p1 =	seq.s32 s9, $0x0;
	v46 =	vmov s6;
	s6 =	simm.s32 $0xFFFFFFFF  }
0xe4: {  	v54 =	vld [tilespmem:$0x700];
	vm1 =	veq.s32 v3, $0x0;
	vm10 =	veq.s32 v38, v0;
	v8 =	vadd.f32 v8, v10;
	s6 =	simm.s32 @!p1 $0x0  }
0xe5: {  	v12 =	vnsel vm10, $0x0, v48;
	s15 =	spop (v2sf);
	(v2sf) =	vpush v5, $0xA;
	p1 =	seq.s32 s10, $0x0;
	v47 =	vmov s6;
	s6 =	simm.s32 $0xFFFFFFFF  }
0xe6: {  	v56 =	vld [tilespmem:$0x780];
	s5 =	simm.s32 $0xFFFFFFFF;
	vm11 =	veq.s32 v19, v0;
	(v2sf) =	vpush v4, $0x8;
	v12 =	vadd.f32 v8, v12;
	s6 =	simm.s32 @!p1 $0x0;
	p1 =	seq.s32 s11, $0x0  }
0xe7: {  	v24 =	vsel vm8, $0x0, v1;
	v13 =	vnsel vm11, $0x0, v51;
	(v2sf) =	vpush v5, $0xB;
	s5 =	simm.s32 @!p1 $0x0  }
0xe8: {  	v58 =	vld [tilespmem:$0x800];
	vm12 =	veq.s32 v20, v0;
	v12 =	vadd.f32 v12, v13;
	v50 =	vmov s5  }
0xe9: {  	vm13 =	veq.s32 v21, v0;
	v11 =	vnsel vm12, $0x0, v54;
	vm8 =	veq.s32 v50, v0  }
0xea: {  	v60 =	vld [tilespmem:$0x880];
	s16 =	spop (v2sf);
	(v2sf) =	vpush v4, $0x9;
	v11 =	vadd.f32 v12, v11;
	v14 =	vsel vm8, $0xFFFFFFFF, v52  }
0xeb: {  	v25 =	vsel vm1, $0x0, v1;
	(v2sf) =	vpush v5, $0xC;
	[tilespmem:$0x1FFD0] =	vst v14;
	v14 =	vnsel vm13, $0x0, v56  }
0xec: {  	v62 =	vld [tilespmem:$0x900];
	vm14 =	veq.s32 v43, v0;
	s17 =	spop (v2sf);
	(v2sf) =	vpush v5, $0xD;
	v63 =	vadd.f32 v11, v14  }
0xed: {  	v2 =	vadd.f32 v24, v2;
	v21 =	vnsel vm14, $0x0, v58;
	p1 =	seq.s32 s12, $0x0;
	(v2sf) =	vpush v5, $0xE;
	s5 =	simm.s32 $0xFFFFFFFF  }
0xee: {  	v20 =	vld [tilespmem:$0x980];
	vm15 =	veq.s32 v22, v0;
	s18 =	spop (v2sf);
	(v2sf) =	vpush v5, $0xF;
	s5 =	simm.s32 @!p1 $0x0;
	v5 =	vadd.f32 v21, v63  }
0xef: {  	v2 =	vadd.f32 v25, v2;
	v13 =	vnsel vm15, $0x0, v60;
	p1 =	seq.s32 s14, $0x0;
	s19 =	spop (v2sf);
	v53 =	vmov s5;
	s5 =	simm.s32 $0xFFFFFFFF  }
0xf0: {  	v25 =	vld [tilespmem:$0xA00];
	p2 =	seq.s32 s13, $0x0;
	vm9 =	veq.s32 v46, v0;
	vm10 =	veq.s32 v47, v0;
	s5 =	simm.s32 @!p1 $0x0;
	s20 =	spop (v2sf);
	v5 =	vadd.f32 v5, v13  }
0xf1: {  	v12 =	vnsel vm9, $0x0, v62;
	(v2sf) =	vpush v4, $0x0;
	p1 =	seq.s32 s15, $0x0;
	v57 =	vmov s5;
	s5 =	simm.s32 $0xFFFFFFFF;
	s21 =	spop (v2sf)  }
0xf2: {  	v27 =	vld [tilespmem:$0xA80];
	v49 =	vmov s6;
	s6 =	simm.s32 $0xFFFFFFFF;
	s5 =	simm.s32 @!p1 $0x0;
	s22 =	spop (v2sf);
	(v2sf) =	vpush v4, $0xA;
	v5 =	vadd.f32 v5, v12  }
0xf3: {  	s6 =	simm.s32 @!p2 $0x0;
	v11 =	vnsel vm10, $0x0, v20;
	p1 =	seq.s32 s16, $0x0;
	v59 =	vmov s5;
	s5 =	simm.s32 $0xFFFFFFFF  }
0xf4: {  	v29 =	vld [tilespmem:$0xB00];
	vm11 =	veq.s32 v49, v0;
	v55 =	vmov s6;
	s6 =	simm.s32 $0xFFFFFFFF;
	s5 =	simm.s32 @!p1 $0x0;
	s23 =	spop (v2sf);
	v5 =	vadd.f32 v5, v11  }
0xf5: {  	v33 =	vnsel vm11, $0x0, v25;
	p1 =	seq.s32 s17, $0x0;
	v61 =	vmov s5;
	s5 =	simm.s32 $0xFFFFFFFF;
	s24 =	spop (v2sf)  }
0xf6: {  	v31 =	vld [tilespmem:$0xB80];
	vm12 =	veq.s32 v55, v0;
	s5 =	simm.s32 @!p1 $0x0;
	p1 =	seq.s32 s18, $0x0;
	s25 =	spop (v2sf);
	(v2sf) =	vpush v4, $0xB;
	v5 =	vadd.f32 v5, v33  }
0xf7: {  	v9 =	vnsel vm12, $0x0, v27;
	s6 =	simm.s32 @!p1 $0x0;
	v23 =	vmov s5;
	p1 =	seq.s32 s19, $0x0;
	s5 =	simm.s32 $0xFFFFFFFF  }
0xf8: {  	v36 =	vld [tilespmem:$0xC00];
	vm13 =	veq.s32 v57, v0;
	p2 =	seq.s32 s21, $0x0;
	s5 =	simm.s32 @!p1 $0x0;
	v5 =	vadd.f32 v5, v9  }
0xf9: {  	v7 =	vnsel vm13, $0x0, v29;
	v24 =	vmov s6;
	p1 =	seq.s32 s20, $0x0;
	s6 =	simm.s32 $0xFFFFFFFF;
	v26 =	vmov s5;
	s5 =	simm.s32 $0xFFFFFFFF  }
0xfa: {  	v38 =	vld [tilespmem:$0xC80];
	vm14 =	veq.s32 v59, v0;
	s6 =	simm.s32 @!p2 $0x0;
	s5 =	simm.s32 @!p1 $0x0;
	v5 =	vadd.f32 v5, v7  }
0xfb: {  	v6 =	vnsel vm14, $0x0, v31;
	s26 =	spop (v2sf);
	v30 =	vmov s6;
	p1 =	seq.s32 s22, $0x0;
	v28 =	vmov s5;
	s5 =	simm.s32 $0xFFFFFFFF  }
0xfc: {  	v41 =	vld [tilespmem:$0xD00];
	s7 =	simm.s32 $0xFFFFFFFF;
	s28 =	spop (v2sf);
	vm8 =	veq.s32 v30, v0;
	s5 =	simm.s32 @!p1 $0x0;
	v5 =	vadd.f32 v5, v6  }
0xfd: {  	s6 =	simm.s32 $0xFFFFFFFF;
	s29 =	spop (v2sf);
	p1 =	seq.s32 s23, $0x0;
	v32 =	vmov s5;
	v9 =	vnsel vm8, $0x0, v36  }
0xfe: {  	v44 =	vld [tilespmem:$0xD80];
	p2 =	seq.s32 s25, $0x0;
	s30 =	spop (v2sf);
	s6 =	simm.s32 @!p1 $0x0;
	vm9 =	veq.s32 v32, v0;
	v5 =	vadd.f32 v5, v9  }
0xff: {  	vm1 =	veq.s32 v53, v0;
	s7 =	simm.s32 @!p2 $0x0;
	p2 =	seq.s32 s28, $0x0;
	s31 =	spop (v2sf);
	v34 =	vmov s6;
	v7 =	vnsel vm9, $0x0, v38  }
0x100: {  	v47 =	vld [tilespmem:$0xE00];
	v37 =	vmov s7;
	p1 =	seq.s32 s24, $0x0;
	s5 =	simm.s32 $0xFFFFFFFF;
	s8 =	spop (v2sf);
	vm10 =	veq.s32 v34, v0;
	v5 =	vadd.f32 v5, v7  }
0x101: {  	s7 =	simm.s32 $0xFFFFFFFF;
	vm11 =	veq.s32 v37, v0;
	s5 =	simm.s32 @!p1 $0x0;
	v6 =	vnsel vm10, $0x0, v41;
	s9 =	spop (v2sf);
	(v2sf) =	vpush v4, $0xC  }
0x102: {  	v48 =	vld [tilespmem:$0xE80];
	s7 =	simm.s32 @!p2 $0x0;
	p1 =	seq.s32 s26, $0x0;
	v35 =	vmov s5;
	s5 =	simm.s32 $0xFFFFFFFF;
	(v2sf) =	vpush v4, $0xD;
	v5 =	vadd.f32 v5, v6  }
0x103: {  	v39 =	vmov s7;
	s7 =	simm.s32 $0xFFFFFFFF;
	v49 =	vnsel vm11, $0x0, v44;
	s5 =	simm.s32 @!p1 $0x0;
	p1 =	seq.s32 s29, $0x0;
	(v2sf) =	vpush v4, $0xE  }
0x104: {  	v52 =	vld [tilespmem:$0xF00];
	vm0 =	veq.s32 v39, v0;
	s7 =	simm.s32 @!p1 $0x0;
	(v2sf) =	vpush v4, $0xF;
	v51 =	vadd.f32 v5, v49  }
0x105: {  	p1 =	seq.s32 s30, $0x0;
	v40 =	vmov s7;
	s7 =	simm.s32 $0xFFFFFFFF;
	v7 =	vnsel vm0, $0x0, v47;
	s10 =	spop (v2sf);
	(v2sf) =	vpush v3, $0x0  }
0x106: {  	v53 =	vld [tilespmem:$0xF80];
	s7 =	simm.s32 @!p1 $0x0;
	vm15 =	veq.s32 v40, v0;
	(v2sf) =	vpush v3, $0x1;
	v4 =	vadd.f32 v51, v7  }
0x107: {  	p1 =	seq.s32 s31, $0x0;
	v42 =	vmov s7;
	s7 =	simm.s32 $0xFFFFFFFF;
	v6 =	vnsel vm15, $0x0, v48;
	(v2sf) =	vpush v3, $0x2  }
0x108: {  	v55 =	vld [tilespmem:$0x1000];
	s7 =	simm.s32 @!p1 $0x0;
	vm13 =	veq.s32 v42, v0;
	(v2sf) =	vpush v3, $0x3;
	v4 =	vadd.f32 v4, v6  }
0x109: {  	v59 =	vld [tilespmem:$0x1FFD0];
	s6 =	simm.s32 $0xFFFFFFFF;
	p1 =	seq.s32 s8, $0x0;
	v43 =	vmov s7;
	v5 =	vnsel vm13, $0x0, v52;
	(v2sf) =	vpush v3, $0x4  }
0x10a: {  	v56 =	vld [tilespmem:$0x1080];
	s6 =	simm.s32 @!p1 $0x0;
	vm14 =	veq.s32 v43, v0;
	(v2sf) =	vpush v3, $0x5;
	v4 =	vadd.f32 v4, v5  }
0x10b: {  	v45 =	vmov s6;
	v7 =	vnsel vm14, $0x0, v53;
	(v2sf) =	vpush v3, $0x6  }
0x10c: {  	v57 =	vld [tilespmem:$0x1100];
	vm12 =	veq.s32 v45, v0;
	(v2sf) =	vpush v3, $0x7;
	v4 =	vadd.f32 v4, v7  }
0x10d: {  	v6 =	vnsel vm12, $0x0, v55  }
0x10e: {  	v58 =	vld [tilespmem:$0x1180];
	vm15 =	vnez.u8 v59;
	v4 =	vadd.f32 v6, v4  }
0x10f: {  	v5 =	vnsel vm15, $0x0, v56  }
0x110: {  	v60 =	vld [tilespmem:$0x1200];
	s11 =	spop (v2sf);
	v4 =	vadd.f32 v4, v5  }
0x111: {  	v7 =	vnsel vm1, $0x0, v57;
	s12 =	spop (v2sf)  }
0x112: {  	vm5 =	veq.s32 v61, v0;
	v61 =	vld [tilespmem:$0x1280];
	s13 =	spop (v2sf);
	v4 =	vadd.f32 v4, v7  }
0x113: {  	v6 =	vnsel vm5, $0x0, v58;
	s14 =	spop (v2sf)  }
0x114: {  	v12 =	vld [tilespmem:$0x1300];
	vm6 =	veq.s32 v23, v0;
	(v2sf) =	vpush v3, $0x8;
	s15 =	spop (v2sf);
	v4 =	vadd.f32 v4, v6  }
0x115: {  	vm4 =	veq.s32 v24, v0;
	(v2sf) =	vpush v3, $0x9;
	v5 =	vnsel vm6, $0x0, v60;
	s16 =	spop (v2sf)  }
0x116: {  	v17 =	vld [tilespmem:$0x1380];
	v46 =	vmov s5;
	s5 =	simm.s32 $0xFFFFFFFF;
	p1 =	seq.s32 s9, $0x0;
	(v2sf) =	vpush v3, $0xA;
	s17 =	spop (v2sf);
	v4 =	vadd.f32 v4, v5  }
0x117: {  	vm2 =	veq.s32 v26, v0;
	s5 =	simm.s32 @!p1 $0x0;
	p1 =	seq.s32 s10, $0x0;
	(v2sf) =	vpush v3, $0xB;
	v7 =	vnsel vm4, $0x0, v61;
	s18 =	spop (v2sf)  }
0x118: {  	v20 =	vld [tilespmem:$0x1400];
	s6 =	simm.s32 $0xFFFFFFFF;
	v50 =	vmov s5;
	s5 =	simm.s32 $0xFFFFFFFF;
	(v2sf) =	vpush v3, $0xC;
	s19 =	spop (v2sf);
	v7 =	vadd.f32 v4, v7  }
0x119: {  	s5 =	simm.s32 @!p1 $0x0;
	p1 =	seq.s32 s11, $0x0;
	(v2sf) =	vpush v3, $0xD;
	v6 =	vnsel vm2, $0x0, v12;
	s20 =	spop (v2sf)  }
0x11a: {  	v23 =	vld [tilespmem:$0x1480];
	vm3 =	veq.s32 v28, v0;
	s6 =	simm.s32 @!p1 $0x0;
	(v2sf) =	vpush v3, $0xE;
	s21 =	spop (v2sf);
	v6 =	vadd.f32 v7, v6  }
0x11b: {  	p1 =	seq.s32 s12, $0x0;
	v62 =	vmov s6;
	s6 =	simm.s32 $0xFFFFFFFF;
	s22 =	spop (v2sf);
	(v2sf) =	vpush v3, $0xF;
	v3 =	vnsel vm3, $0x0, v17  }
0x11c: {  	v15 =	vimm.s32 $0x0;
	v26 =	vld [tilespmem:$0x1500];
	vm7 =	veq.s32 v35, v0;
	s6 =	simm.s32 @!p1 $0x0;
	v3 =	vadd.f32 v6, v3  }
0x11d: {  	v13 =	vimm.s32 $0x0;
	v28 =	vnsel vm7, $0x0, v20;
	p1 =	seq.s32 s13, $0x0;
	v63 =	vmov s6;
	s6 =	simm.s32 $0xFFFFFFFF  }
0x11e: {  	v30 =	vld [tilespmem:$0x1580];
	vm8 =	veq.s32 v46, v0;
	s6 =	simm.s32 @!p1 $0x0;
	vm5 =	veq.s32 v63, v0;
	v3 =	vadd.f32 v3, v28  }
0x11f: {  	v8 =	vsel vm5, $0xFFFFFFFF, v13;
	v14 =	vmov s6;
	v7 =	vnsel vm8, $0x0, v23  }
0x120: {  	v33 =	vld [tilespmem:$0x1600];
	vm9 =	veq.s32 v50, v0;
	[tilespmem:$0x1FFE0] =	vst v8;
	vm6 =	veq.s32 v14, v0;
	v3 =	vadd.f32 v3, v7  }
0x121: {  	v54 =	vmov s5;
	v8 =	vsel vm6, $0xFFFFFFFF, v15;
	v42 =	vld [tilespmem:$0x1FFE0];
	v6 =	vnsel vm9, $0x0, v26  }
0x122: {  	v36 =	vld [tilespmem:$0x1680];
	vm10 =	veq.s32 v54, v0;
	[tilespmem:$0x1FFF0] =	vst v8;
	v3 =	vadd.f32 v3, v6  }
0x123: {  	v8 =	vnsel vm10, $0x0, v30;
	v44 =	vld [tilespmem:$0x1FFF0]  }
0x124: {  	v39 =	vld [tilespmem:$0x1700];
	vm1 =	veq.s32 v62, v0;
	v3 =	vadd.f32 v3, v8  }
0x125: {  	v7 =	vnsel vm1, $0x0, v33  }
0x126: {  	v41 =	vld [tilespmem:$0x1780];
	vm5 =	vnez.u8 v42;
	v3 =	vadd.f32 v3, v7  }
0x127: {  	p1 =	seq.s32 s14, $0x0;
	s6 =	simm.s32 $0xFFFFFFFF;
	v6 =	vnsel vm5, $0x0, v36  }
0x128: {  	v43 =	vld [tilespmem:$0x1800];
	s6 =	simm.s32 @!p1 $0x0;
	vm5 =	vnez.u8 v44;
	v3 =	vadd.f32 v3, v6  }
0x129: {  	p1 =	seq.s32 s15, $0x0;
	v16 =	vmov s6;
	s6 =	simm.s32 $0xFFFFFFFF;
	v7 =	vnsel vm5, $0x0, v39  }
0x12a: {  	v45 =	vld [tilespmem:$0x1880];
	s6 =	simm.s32 @!p1 $0x0;
	vm6 =	veq.s32 v16, v0;
	v3 =	vadd.f32 v3, v7  }
0x12b: {  	p1 =	seq.s32 s16, $0x0;
	v18 =	vmov s6;
	s6 =	simm.s32 $0xFFFFFFFF;
	v5 =	vnsel vm6, $0x0, v41  }
0x12c: {  	v46 =	vld [tilespmem:$0x1900];
	s6 =	simm.s32 @!p1 $0x0;
	vm4 =	veq.s32 v18, v0;
	v3 =	vadd.f32 v3, v5  }
0x12d: {  	p1 =	seq.s32 s17, $0x0;
	v19 =	vmov s6;
	s6 =	simm.s32 $0xFFFFFFFF;
	v6 =	vnsel vm4, $0x0, v43  }
0x12e: {  	v48 =	vld [tilespmem:$0x1980];
	s6 =	simm.s32 @!p1 $0x0;
	vm11 =	veq.s32 v19, v0;
	v3 =	vadd.f32 v6, v3  }
0x12f: {  	p1 =	seq.s32 s18, $0x0;
	v21 =	vmov s6;
	s6 =	simm.s32 $0xFFFFFFFF;
	v7 =	vnsel vm11, $0x0, v45  }
0x130: {  	v49 =	vld [tilespmem:$0x1A00];
	s6 =	simm.s32 @!p1 $0x0;
	vm2 =	veq.s32 v21, v0;
	v3 =	vadd.f32 v3, v7  }
0x131: {  	p1 =	seq.s32 s19, $0x0;
	v22 =	vmov s6;
	s6 =	simm.s32 $0xFFFFFFFF;
	v5 =	vnsel vm2, $0x0, v46  }
0x132: {  	v50 =	vld [tilespmem:$0x1A80];
	s6 =	simm.s32 @!p1 $0x0;
	vm11 =	veq.s32 v22, v0;
	v3 =	vadd.f32 v3, v5  }
0x133: {  	p1 =	seq.s32 s20, $0x0;
	v24 =	vmov s6;
	s6 =	simm.s32 $0xFFFFFFFF;
	v51 =	vnsel vm11, $0x0, v48  }
0x134: {  	v52 =	vld [tilespmem:$0x1B00];
	s6 =	simm.s32 @!p1 $0x0;
	vm3 =	veq.s32 v24, v0;
	v3 =	vadd.f32 v3, v51  }
0x135: {  	p1 =	seq.s32 s21, $0x0;
	v25 =	vmov s6;
	s6 =	simm.s32 $0xFFFFFFFF;
	v53 =	vnsel vm3, $0x0, v49  }
0x136: {  	v54 =	vld [tilespmem:$0x1B80];
	s6 =	simm.s32 @!p1 $0x0;
	vm12 =	veq.s32 v25, v0;
	v3 =	vadd.f32 v3, v53  }
0x137: {  	p1 =	seq.s32 s22, $0x0;
	v27 =	vmov s6;
	s6 =	simm.s32 $0xFFFFFFFF;
	v4 =	vnsel vm12, $0x0, v50  }
0x138: {  	v55 =	vld [tilespmem:$0x1C00];
	s23 =	spop (v2sf);
	s6 =	simm.s32 @!p1 $0x0;
	vm7 =	veq.s32 v27, v0;
	v3 =	vadd.f32 v3, v4  }
0x139: {  	p1 =	seq.s32 s23, $0x0;
	v29 =	vmov s6;
	s6 =	simm.s32 $0xFFFFFFFF;
	v5 =	vnsel vm7, $0x0, v52  }
0x13a: {  	v56 =	vld [tilespmem:$0x1C80];
	s24 =	spop (v2sf);
	s6 =	simm.s32 @!p1 $0x0;
	vm13 =	veq.s32 v29, v0;
	v3 =	vadd.f32 v3, v5  }
0x13b: {  	p1 =	seq.s32 s24, $0x0;
	v31 =	vmov s6;
	s6 =	simm.s32 $0xFFFFFFFF;
	v6 =	vnsel vm13, $0x0, v54  }
0x13c: {  	v57 =	vld [tilespmem:$0x1D00];
	s25 =	spop (v2sf);
	s6 =	simm.s32 @!p1 $0x0;
	vm8 =	veq.s32 v31, v0;
	v3 =	vadd.f32 v3, v6  }
0x13d: {  	p1 =	seq.s32 s25, $0x0;
	v32 =	vmov s6;
	s6 =	simm.s32 $0xFFFFFFFF;
	v4 =	vnsel vm8, $0x0, v55  }
0x13e: {  	v58 =	vld [tilespmem:$0x1D80];
	s26 =	spop (v2sf);
	s6 =	simm.s32 @!p1 $0x0;
	vm14 =	veq.s32 v32, v0;
	v3 =	vadd.f32 v3, v4  }
0x13f: {  	p1 =	seq.s32 s26, $0x0;
	v34 =	vmov s6;
	s6 =	simm.s32 $0xFFFFFFFF;
	v5 =	vnsel vm14, $0x0, v56  }
0x140: {  	v59 =	vld [tilespmem:$0x1E00];
	s28 =	spop (v2sf);
	s6 =	simm.s32 @!p1 $0x0;
	vm9 =	veq.s32 v34, v0;
	v3 =	vadd.f32 v3, v5  }
0x141: {  	p1 =	seq.s32 s28, $0x0;
	v35 =	vmov s6;
	s6 =	simm.s32 $0xFFFFFFFF;
	v6 =	vnsel vm9, $0x0, v57  }
0x142: {  	v60 =	vld [tilespmem:$0x1E80];
	s29 =	spop (v2sf);
	s6 =	simm.s32 @!p1 $0x0;
	vm15 =	veq.s32 v35, v0;
	v3 =	vadd.f32 v3, v6  }
0x143: {  	p1 =	seq.s32 s29, $0x0;
	v37 =	vmov s6;
	s6 =	simm.s32 $0xFFFFFFFF;
	v4 =	vnsel vm15, $0x0, v58  }
0x144: {  	v61 =	vld [tilespmem:$0x1F00];
	s30 =	spop (v2sf);
	s6 =	simm.s32 @!p1 $0x0;
	vm10 =	veq.s32 v37, v0;
	v3 =	vadd.f32 v3, v4  }
0x145: {  	s5 =	simm.s32 $0xFFFFFFFF;
	p1 =	seq.s32 s30, $0x0;
	v38 =	vmov s6;
	v5 =	vnsel vm10, $0x0, v59  }
0x146: {  	v62 =	vld [tilespmem:$0x1F80];
	s31 =	spop (v2sf);
	s5 =	simm.s32 @!p1 $0x0;
	vm0 =	veq.s32 v38, v0;
	v3 =	vadd.f32 v3, v5  }
0x147: {  	p1 =	seq.s32 s31, $0x0;
	v40 =	vmov s5;
	s5 =	simm.s32 $0xFFFFFFFF;
	v6 =	vnsel vm0, $0x0, v60  }
0x148: {  	vm1 =	veq.s32 v40, v0;
	s5 =	simm.s32 @!p1 $0x0;
	v3 =	vadd.f32 v3, v6  }
0x149: {  	v47 =	vmov s5;
	v4 =	vnsel vm1, $0x0, v61  }
0x14a: {  	vm4 =	veq.s32 v47, v0;
	v3 =	vadd.f32 v3, v4  }
0x14b: {  	v63 =	vnsel vm4, $0x0, v62  }
0x14c: {  	v3 =	vadd.f32 v3, v63  }
0x14d: {  	p0 =	sne.s32 s4, $0x1  }
.Ltmp1:
0x14e: {  	v2 =	vmul.f32 $-1.476373550e+00, v2;
	v3 =	vmul.f32 $1.000020010e-06, v3;
	(pc) =	sbr.rel @p0 .LBB2_1-.Ltmp1, $4  }
0x14f: {  	_ = 	snop  }
0x150: {  	v2 =	vadd.f32 v2, v3  }
0x151: {  	s6 =	rddreg [dreg:$0x6]  }
0x152: {  	s4 =	sadd.s32 $0xFFFFFFFF, s4;
	s5 =	rddreg [dreg:$0x7];
	[tilespmem:$0x2080] =	vst v2  }
.LBB2_2:
0x153: {  	[hbm4b:s6+s2] =	stream.linear.scatter [tilespmem:s5], [sflag:$0x1], $0x80, $0x38;
	[tilespmem:$0x2100] =	vst v63  }
0x154: {  	_ =	swait.ge [sflag:s3], $0x80  }
0x155: {  	[sflag:s3] =	ssyncset.done $0x0  }
0x156: {  	[sflag:s3] =	ssyncadd.s32 $0xFFFFFF80  }
0x157: {  	_ =	sfence.sel $0x180000  }
0x158: {  	[bflag:$0x0] =	sbarrier.arrive $0xFFFF  }
0x159: {  	p0 =	sne.s32 s0, $0x0;
	_ =	strace $0x90000047  }
0x15a: {  	s0 =	sadd.s32 @!p0 $0x100000, s1;
	[bflag:$0x2] =	sbarrier.arrive $0xFFFF  }
0x15b: {  	[sflag:s0] =	ssyncadd.tile.s32 @!p0 $0x1;
	_ =	shalt  }
.Lfunc_end2:
_tile_overlayer_lowered:
.L_overlay_start_2:
0x15c: {  	(tag) =	ssettag $0x2  }
0x15d: {  	s0 =	rddreg [dreg:$0x0];
	s2 =	stileid.u32  }
0x15e: {  	s1 =	rddreg [dreg:$0x1];
	p0 =	sne.s32 s2, $0x0  }
0x15f: {  	s3 =	rddreg [dreg:$0x2];
	[bflag:$0x3] =	sbarrier.arrive $0xFFFF;
	s2 =	simm.s32 @!p0 $0x1C01  }
0x160: {  	[timem:s3], [sflag:s2] =	dma.local @!p0 [hbm:s0], s1  }
0x161: {  	s0 =	simm.s32 @!p0 $0x1  }
0x162: {  	_ =	swait.ge @!p0 [sflag:s0], s1  }
0x163: {  	s1 =	ssub.s32 @!p0 $0x0, s1;
	[sflag:s0] =	ssyncset.done @!p0 $0x0  }
0x164: {  	[sflag:s0] =	ssyncadd.s32 @!p0 s1  }
0x165: {  	[bflag:$0x3] =	sbarrier.arrive $0xFFFF  }
0x166: {  	_ =	shalt  }

</sc_bundles>
